<compile_context>
chip_gen: v7x
topology: tpu7x:2x2x1
jax: 0.10.2.dev20260603
libtpu: 0.0.44.dev20260713+nightly
codegen_flags: <defaults>
</compile_context>

<pallas_src>
import functools
import math

import jax
import jax.numpy as jnp
from jax import lax
from jax.experimental import pallas as pl
from jax.experimental.pallas import tpu as pltpu
from jax.experimental.pallas import tpu_sc as plsc

_EMBED = 64
_SCALE = math.sqrt(_EMBED)
_LANES = 16
_NW = 32
_BLK = 128
_NBUF = 4


def _make_embed(n_blocks):
    assert n_blocks % (_NW * _NBUF) == 0 and n_blocks // _NW >= 2 * _NBUF
    bpw = n_blocks // _NW
    mesh = plsc.VectorSubcoreMesh(core_axis_name="c", subcore_axis_name="s")

    scratch = (
        [pltpu.VMEM((bpw, _BLK), jnp.int32)]
        + [pltpu.VMEM((_BLK, _EMBED), jnp.float32) for _ in range(_NBUF)]
        + [pltpu.SemaphoreType.DMA for _ in range(2 * _NBUF)]
    )

    @functools.partial(
        pl.kernel,
        mesh=mesh,
        out_type=jax.ShapeDtypeStruct((n_blocks * _BLK, _EMBED), jnp.float32),
        scratch_types=scratch,
        compiler_params=pltpu.CompilerParams(use_tc_tiling_on_sc=False),
    )
    def embed(idx_hbm, table_hbm, out_hbm, idx_v, *refs):
        bufs = refs[:_NBUF]
        sem_g = refs[_NBUF:2 * _NBUF]
        sem_s = refs[2 * _NBUF:]
        wid = lax.axis_index("s") * 2 + lax.axis_index("c")
        g0 = wid * bpw

        pltpu.sync_copy(idx_hbm.at[pl.ds(g0, bpw)], idx_v)

        def gather_start(i, b):
            pltpu.async_copy(table_hbm.at[idx_v.at[i]], bufs[b], sem_g[b])

        def gather_wait(b):
            pltpu.make_async_copy(
                table_hbm.at[idx_v.at[0]], bufs[b], sem_g[b]).wait()

        def scale(b):
            @plsc.parallel_loop(0, _BLK, step=1, unroll=8)
            def _(r):
                for c in range(_EMBED // _LANES):
                    sl = pl.ds(c * _LANES, _LANES)
                    bufs[b][r, sl] = bufs[b][r, sl] * _SCALE

        def scatter_start(i, b):
            pltpu.async_copy(
                bufs[b], out_hbm.at[pl.ds((g0 + i) * _BLK, _BLK)], sem_s[b])

        def scatter_wait(b):
            pltpu.make_async_copy(
                bufs[b], out_hbm.at[pl.ds(0, _BLK)], sem_s[b]).wait()

        gather_start(0, 0)
        gather_start(1, 1)

        def outer(oi, carry):
            c0 = oi * _NBUF
            for j in range(_NBUF):
                c = c0 + j
                b = j
                nb = (j + 2) % _NBUF
                gather_wait(b)

                @pl.when(c >= 2)
                def _():
                    scatter_wait(nb)

                @pl.when(c + 2 < bpw)
                def _():
                    gather_start(c + 2, nb)

                scale(b)
                scatter_start(c, b)
            return carry

        lax.fori_loop(0, bpw // _NBUF, outer, 0)

        scatter_wait((bpw - 2) % _NBUF)
        scatter_wait((bpw - 1) % _NBUF)

    return embed


def kernel(input_token, table):
    batch, seq = input_token.shape
    n_blocks = (batch * seq) // _BLK
    idx2 = input_token.reshape(n_blocks, _BLK).astype(jnp.int32)
    out = _make_embed(n_blocks)(idx2, table)
    return out.reshape(batch, seq, _EMBED)

# --- scband reference (transcript-rebuilt; emitter-appended) ---
"""Pipeline reference for scband-input-embedding-84653805404199 (READ-ONLY COPY).

The authoritative reference and input builder live on the scoring server;
editing this copy changes nothing except your own understanding.
"""

import jax, jax.numpy as jnp
import numpy as np
import math

VOCAB = 1000000
EMBED = 64
BATCH = 4096
SEQ = 200

def setup_inputs(seed: int = 0) -> dict:
    key = jax.random.key(seed)
    k_idx, k_tab = jax.random.split(key)
    input_token = jax.random.randint(k_idx, (BATCH, SEQ), 0, VOCAB, dtype=jnp.int64 if jax.config.jax_enable_x64 else jnp.int32)
    table = jax.random.normal(k_tab, (VOCAB, EMBED), dtype=jnp.float32)
    return {"input_token": input_token, "table": table}

def reference(input_token, table):
    # nn.Embedding lookup followed by sqrt(embed_size) scaling
    emb = jnp.take(table, input_token, axis=0)
    return emb * math.sqrt(EMBED)

if __name__ == "__main__":
    import jax
    _d = setup_inputs()
    print(jax.jit(kernel)(*tuple(_d.values())))

</pallas_src>

<mosaic_0001>
#map = affine_map<(d0, d1) -> (0, 0)>
module attributes {stable_mosaic.version = 14 : i64} {
  func.func @embed(%arg0: i32, %arg1: i32, %arg2: memref<6400x128xi32, #tpu.memory_space<hbm>>, %arg3: memref<1000000x64xf32, #tpu.memory_space<hbm>>, %arg4: memref<819200x64xf32, #tpu.memory_space<hbm>>, %arg5: memref<200x128xi32, #tpu.memory_space<vmem>>, %arg6: memref<128x64xf32, #tpu.memory_space<vmem>>, %arg7: memref<128x64xf32, #tpu.memory_space<vmem>>, %arg8: memref<128x64xf32, #tpu.memory_space<vmem>>, %arg9: memref<128x64xf32, #tpu.memory_space<vmem>>, %arg10: memref<!tpu.dma_semaphore, #tpu.memory_space<semaphore_mem>>, %arg11: memref<!tpu.dma_semaphore, #tpu.memory_space<semaphore_mem>>, %arg12: memref<!tpu.dma_semaphore, #tpu.memory_space<semaphore_mem>>, %arg13: memref<!tpu.dma_semaphore, #tpu.memory_space<semaphore_mem>>, %arg14: memref<!tpu.dma_semaphore, #tpu.memory_space<semaphore_mem>>, %arg15: memref<!tpu.dma_semaphore, #tpu.memory_space<semaphore_mem>>, %arg16: memref<!tpu.dma_semaphore, #tpu.memory_space<semaphore_mem>>, %arg17: memref<!tpu.dma_semaphore, #tpu.memory_space<semaphore_mem>>) attributes {dimension_semantics = [#tpu.dimension_semantics<core_parallel>, #tpu.dimension_semantics<subcore_parallel>], iteration_bounds = array<i64: 2, 16>, scalar_prefetch = 0 : i64, scratch_operands = 13 : i64, tpu.core_type = #tpu.core_type<sc_vector_subcore>, window_params = [{transform_indices = #map}, {transform_indices = #map}, {transform_indices = #map}]} {
    %mul3A = arith.constant 2 : i32
    %mul3A_0 = arith.muli %arg1, %mul3A : i32
    %add3A = arith.addi %mul3A_0, %arg0 : i32
    %mul3A_1 = arith.constant 200 : i32
    %mul3A_2 = arith.muli %add3A, %mul3A_1 : i32
    "tpu.region"() ({
      %run_scoped3A = tpu.sem_alloc : memref<!tpu.dma_semaphore, #tpu.memory_space<semaphore_mem>>
      %dma_start3A_32 = arith.constant 0 : i32
      %dma_start3A_33 = tpu.memref_slice %arg2[%mul3A_2, %dma_start3A_32] : memref<6400x128xi32, #tpu.memory_space<hbm>> -> memref<200x128xi32, #tpu.memory_space<hbm>>
      %dma_start3A_34 = arith.constant 0 : i32
      %dma_start3A_35 = tpu.memref_slice %arg2[%mul3A_2, %dma_start3A_34] : memref<6400x128xi32, #tpu.memory_space<hbm>> -> memref<200x128xi32, #tpu.memory_space<hbm>>
      tpu.enqueue_dma source(%dma_start3A_35 : memref<200x128xi32, #tpu.memory_space<hbm>>) target(%arg5 : memref<200x128xi32, #tpu.memory_space<vmem>>) target_semaphore(%run_scoped3A : memref<!tpu.dma_semaphore, #tpu.memory_space<semaphore_mem>>)
      %dma_wait3A_36 = arith.constant 0 : i32
      %dma_wait3A_37 = tpu.memref_slice %arg2[%mul3A_2, %dma_wait3A_36] : memref<6400x128xi32, #tpu.memory_space<hbm>> -> memref<200x128xi32, #tpu.memory_space<hbm>>
      %dma_wait3A_38 = arith.constant 0 : i32
      %dma_wait3A_39 = tpu.memref_slice %arg2[%mul3A_2, %dma_wait3A_38] : memref<6400x128xi32, #tpu.memory_space<hbm>> -> memref<200x128xi32, #tpu.memory_space<hbm>>
      tpu.wait_dma2 semaphore(%run_scoped3A : memref<!tpu.dma_semaphore, #tpu.memory_space<semaphore_mem>>) src(%dma_wait3A_39 : memref<200x128xi32, #tpu.memory_space<hbm>>) dst(%arg5 : memref<200x128xi32, #tpu.memory_space<vmem>>)
      tpu.yield
    }) : () -> ()
    %dma_start3A = arith.constant 0 : i32
    %dma_start3A_3 = arith.constant 0 : i32
    %dma_start3A_4 = tpu.memref_slice %arg5[%dma_start3A, %dma_start3A_3] : memref<200x128xi32, #tpu.memory_space<vmem>> -> memref<1x128xi32, #tpu.memory_space<vmem>>
    %dma_start3A_5 = tpu.memref_squeeze %dma_start3A_4 : memref<1x128xi32, #tpu.memory_space<vmem>> -> memref<128xi32, #tpu.memory_space<vmem>>
    %dma_start3A_6 = arith.constant 0 : i32
    %dma_start3A_7 = arith.constant 0 : i32
    %dma_start3A_8 = tpu.memref_slice %arg3[%dma_start3A_6, %dma_start3A_7] : memref<1000000x64xf32, #tpu.memory_space<hbm>> -> memref<1000000x64xf32, #tpu.memory_space<hbm>>
    tpu.enqueue_indirect_dma source(%dma_start3A_8 : memref<1000000x64xf32, #tpu.memory_space<hbm>>) target(%arg6 : memref<128x64xf32, #tpu.memory_space<vmem>>) offsets(%dma_start3A_5 : memref<128xi32, #tpu.memory_space<vmem>>) semaphore(%arg10 : memref<!tpu.dma_semaphore, #tpu.memory_space<semaphore_mem>>)
    %dma_start3A_9 = arith.constant 1 : i32
    %dma_start3A_10 = arith.constant 0 : i32
    %dma_start3A_11 = tpu.memref_slice %arg5[%dma_start3A_9, %dma_start3A_10] : memref<200x128xi32, #tpu.memory_space<vmem>> -> memref<1x128xi32, #tpu.memory_space<vmem>>
    %dma_start3A_12 = tpu.memref_squeeze %dma_start3A_11 : memref<1x128xi32, #tpu.memory_space<vmem>> -> memref<128xi32, #tpu.memory_space<vmem>>
    %dma_start3A_13 = arith.constant 0 : i32
    %dma_start3A_14 = arith.constant 0 : i32
    %dma_start3A_15 = tpu.memref_slice %arg3[%dma_start3A_13, %dma_start3A_14] : memref<1000000x64xf32, #tpu.memory_space<hbm>> -> memref<1000000x64xf32, #tpu.memory_space<hbm>>
    tpu.enqueue_indirect_dma source(%dma_start3A_15 : memref<1000000x64xf32, #tpu.memory_space<hbm>>) target(%arg7 : memref<128x64xf32, #tpu.memory_space<vmem>>) offsets(%dma_start3A_12 : memref<128xi32, #tpu.memory_space<vmem>>) semaphore(%arg11 : memref<!tpu.dma_semaphore, #tpu.memory_space<semaphore_mem>>)
    %scan3A = arith.constant 0 : i32
    %scan3A_16 = arith.constant 0 : i32
    %scan3A_17 = arith.constant 50 : i32
    %scan3A_18 = arith.addi %scan3A_16, %scan3A_17 : i32
    %scan3A_19 = arith.constant 1 : i32
    scf.for %scan3A_32 = %scan3A_16 to %scan3A_18 step %scan3A_19  : i32 {
      %mul3A_33 = arith.constant 4 : i32
      %mul3A_34 = arith.muli %scan3A_32, %mul3A_33 : i32
      %add3A_35 = arith.constant 0 : i32
      %add3A_36 = arith.addi %mul3A_34, %add3A_35 : i32
      %dma_wait3A_37 = arith.constant 0 : i32
      %dma_wait3A_38 = arith.constant 0 : i32
      %dma_wait3A_39 = tpu.memref_slice %arg5[%dma_wait3A_37, %dma_wait3A_38] : memref<200x128xi32, #tpu.memory_space<vmem>> -> memref<1x128xi32, #tpu.memory_space<vmem>>
      %dma_wait3A_40 = tpu.memref_squeeze %dma_wait3A_39 : memref<1x128xi32, #tpu.memory_space<vmem>> -> memref<128xi32, #tpu.memory_space<vmem>>
      %dma_wait3A_41 = arith.constant 0 : i32
      %dma_wait3A_42 = arith.constant 0 : i32
      %dma_wait3A_43 = tpu.memref_slice %arg3[%dma_wait3A_41, %dma_wait3A_42] : memref<1000000x64xf32, #tpu.memory_space<hbm>> -> memref<1000000x64xf32, #tpu.memory_space<hbm>>
      tpu.wait_indirect_dma semaphore(%arg10 : memref<!tpu.dma_semaphore, #tpu.memory_space<semaphore_mem>>) src(%dma_wait3A_43 : memref<1000000x64xf32, #tpu.memory_space<hbm>>) dst(%arg6 : memref<128x64xf32, #tpu.memory_space<vmem>>)
      %ge3A = arith.constant 2 : i32
      %ge3A_44 = arith.cmpi sge, %add3A_36, %ge3A : i32
      %convert_element_type3A = arith.extui %ge3A_44 : i1 to i32
      %cond3A = arith.constant 0 : i32
      %cond3A_45 = arith.cmpi ne, %convert_element_type3A, %cond3A : i32
      scf.if %cond3A_45 {
        %dma_wait3A_154 = arith.constant 0 : i32
        %dma_wait3A_155 = arith.constant 0 : i32
        %dma_wait3A_156 = tpu.memref_slice %arg4[%dma_wait3A_154, %dma_wait3A_155] : memref<819200x64xf32, #tpu.memory_space<hbm>> -> memref<128x64xf32, #tpu.memory_space<hbm>>
        %dma_wait3A_157 = arith.constant 0 : i32
        %dma_wait3A_158 = arith.constant 0 : i32
        %dma_wait3A_159 = tpu.memref_slice %arg4[%dma_wait3A_157, %dma_wait3A_158] : memref<819200x64xf32, #tpu.memory_space<hbm>> -> memref<128x64xf32, #tpu.memory_space<hbm>>
        tpu.wait_dma2 semaphore(%arg16 : memref<!tpu.dma_semaphore, #tpu.memory_space<semaphore_mem>>) src(%arg8 : memref<128x64xf32, #tpu.memory_space<vmem>>) dst(%dma_wait3A_159 : memref<128x64xf32, #tpu.memory_space<hbm>>)
      } else {
      }
      %add3A_46 = arith.constant 2 : i32
      %add3A_47 = arith.addi %add3A_36, %add3A_46 : i32
      %lt3A = arith.constant 200 : i32
      %lt3A_48 = arith.cmpi slt, %add3A_47, %lt3A : i32
      %convert_element_type3A_49 = arith.extui %lt3A_48 : i1 to i32
      %cond3A_50 = arith.constant 0 : i32
      %cond3A_51 = arith.cmpi ne, %convert_element_type3A_49, %cond3A_50 : i32
      scf.if %cond3A_51 {
        %add3A_154 = arith.constant 2 : i32
        %add3A_155 = arith.addi %add3A_36, %add3A_154 : i32
        %dma_start3A_156 = arith.constant 0 : i32
        %dma_start3A_157 = tpu.memref_slice %arg5[%add3A_155, %dma_start3A_156] : memref<200x128xi32, #tpu.memory_space<vmem>> -> memref<1x128xi32, #tpu.memory_space<vmem>>
        %dma_start3A_158 = tpu.memref_squeeze %dma_start3A_157 : memref<1x128xi32, #tpu.memory_space<vmem>> -> memref<128xi32, #tpu.memory_space<vmem>>
        %dma_start3A_159 = arith.constant 0 : i32
        %dma_start3A_160 = arith.constant 0 : i32
        %dma_start3A_161 = tpu.memref_slice %arg3[%dma_start3A_159, %dma_start3A_160] : memref<1000000x64xf32, #tpu.memory_space<hbm>> -> memref<1000000x64xf32, #tpu.memory_space<hbm>>
        tpu.enqueue_indirect_dma source(%dma_start3A_161 : memref<1000000x64xf32, #tpu.memory_space<hbm>>) target(%arg8 : memref<128x64xf32, #tpu.memory_space<vmem>>) offsets(%dma_start3A_158 : memref<128xi32, #tpu.memory_space<vmem>>) semaphore(%arg12 : memref<!tpu.dma_semaphore, #tpu.memory_space<semaphore_mem>>)
      } else {
      }
      %parallel_loop3A = arith.constant 0 : i32
      %parallel_loop3A_52 = arith.constant 128 : i32
      %parallel_loop3A_53 = arith.constant 1 : i32
      scf.for %parallel_loop3A_154 = %parallel_loop3A to %parallel_loop3A_52 step %parallel_loop3A_53  : i32 {
        %parallel_loop3A_155 = arith.index_cast %parallel_loop3A_154 : i32 to index
        %parallel_loop3A_156 = arith.constant 0 : index
        %parallel_loop3A_157 = tpu.vector_load %arg6[%parallel_loop3A_155, %parallel_loop3A_156] {strides = array<i32>} : memref<128x64xf32, #tpu.memory_space<vmem>>, vector<1x16xf32>,
        %parallel_loop3A_158 = vector.shape_cast %parallel_loop3A_157 : vector<1x16xf32> to vector<16xf32>
        %parallel_loop3A_159 = arith.constant 8.000000e+00 : f32
        %parallel_loop3A_160 = vector.broadcast %parallel_loop3A_159 : f32 to vector<16xf32>
        %parallel_loop3A_161 = arith.mulf %parallel_loop3A_158, %parallel_loop3A_160 : vector<16xf32>
        %parallel_loop3A_162 = arith.index_cast %parallel_loop3A_154 : i32 to index
        %parallel_loop3A_163 = arith.constant 0 : index
        %parallel_loop3A_164 = tpu.vector_load %arg6[%parallel_loop3A_162, %parallel_loop3A_163] {strides = array<i32>} : memref<128x64xf32, #tpu.memory_space<vmem>>, vector<1x16xf32>,
        %parallel_loop3A_165 = vector.shape_cast %parallel_loop3A_164 : vector<1x16xf32> to vector<16xf32>
        %parallel_loop3A_166 = vector.shape_cast %parallel_loop3A_161 : vector<16xf32> to vector<1x16xf32>
        tpu.vector_store %arg6[%parallel_loop3A_162, %parallel_loop3A_163], %parallel_loop3A_166 {strides = array<i32>} : memref<128x64xf32, #tpu.memory_space<vmem>>, vector<1x16xf32>,
        %parallel_loop3A_167 = arith.index_cast %parallel_loop3A_154 : i32 to index
        %parallel_loop3A_168 = arith.constant 16 : index
        %parallel_loop3A_169 = tpu.vector_load %arg6[%parallel_loop3A_167, %parallel_loop3A_168] {strides = array<i32>} : memref<128x64xf32, #tpu.memory_space<vmem>>, vector<1x16xf32>,
        %parallel_loop3A_170 = vector.shape_cast %parallel_loop3A_169 : vector<1x16xf32> to vector<16xf32>
        %parallel_loop3A_171 = arith.constant 8.000000e+00 : f32
        %parallel_loop3A_172 = vector.broadcast %parallel_loop3A_171 : f32 to vector<16xf32>
        %parallel_loop3A_173 = arith.mulf %parallel_loop3A_170, %parallel_loop3A_172 : vector<16xf32>
        %parallel_loop3A_174 = arith.index_cast %parallel_loop3A_154 : i32 to index
        %parallel_loop3A_175 = arith.constant 16 : index
        %parallel_loop3A_176 = tpu.vector_load %arg6[%parallel_loop3A_174, %parallel_loop3A_175] {strides = array<i32>} : memref<128x64xf32, #tpu.memory_space<vmem>>, vector<1x16xf32>,
        %parallel_loop3A_177 = vector.shape_cast %parallel_loop3A_176 : vector<1x16xf32> to vector<16xf32>
        %parallel_loop3A_178 = vector.shape_cast %parallel_loop3A_173 : vector<16xf32> to vector<1x16xf32>
        tpu.vector_store %arg6[%parallel_loop3A_174, %parallel_loop3A_175], %parallel_loop3A_178 {strides = array<i32>} : memref<128x64xf32, #tpu.memory_space<vmem>>, vector<1x16xf32>,
        %parallel_loop3A_179 = arith.index_cast %parallel_loop3A_154 : i32 to index
        %parallel_loop3A_180 = arith.constant 32 : index
        %parallel_loop3A_181 = tpu.vector_load %arg6[%parallel_loop3A_179, %parallel_loop3A_180] {strides = array<i32>} : memref<128x64xf32, #tpu.memory_space<vmem>>, vector<1x16xf32>,
        %parallel_loop3A_182 = vector.shape_cast %parallel_loop3A_181 : vector<1x16xf32> to vector<16xf32>
        %parallel_loop3A_183 = arith.constant 8.000000e+00 : f32
        %parallel_loop3A_184 = vector.broadcast %parallel_loop3A_183 : f32 to vector<16xf32>
        %parallel_loop3A_185 = arith.mulf %parallel_loop3A_182, %parallel_loop3A_184 : vector<16xf32>
        %parallel_loop3A_186 = arith.index_cast %parallel_loop3A_154 : i32 to index
        %parallel_loop3A_187 = arith.constant 32 : index
        %parallel_loop3A_188 = tpu.vector_load %arg6[%parallel_loop3A_186, %parallel_loop3A_187] {strides = array<i32>} : memref<128x64xf32, #tpu.memory_space<vmem>>, vector<1x16xf32>,
        %parallel_loop3A_189 = vector.shape_cast %parallel_loop3A_188 : vector<1x16xf32> to vector<16xf32>
        %parallel_loop3A_190 = vector.shape_cast %parallel_loop3A_185 : vector<16xf32> to vector<1x16xf32>
        tpu.vector_store %arg6[%parallel_loop3A_186, %parallel_loop3A_187], %parallel_loop3A_190 {strides = array<i32>} : memref<128x64xf32, #tpu.memory_space<vmem>>, vector<1x16xf32>,
        %parallel_loop3A_191 = arith.index_cast %parallel_loop3A_154 : i32 to index
        %parallel_loop3A_192 = arith.constant 48 : index
        %parallel_loop3A_193 = tpu.vector_load %arg6[%parallel_loop3A_191, %parallel_loop3A_192] {strides = array<i32>} : memref<128x64xf32, #tpu.memory_space<vmem>>, vector<1x16xf32>,
        %parallel_loop3A_194 = vector.shape_cast %parallel_loop3A_193 : vector<1x16xf32> to vector<16xf32>
        %parallel_loop3A_195 = arith.constant 8.000000e+00 : f32
        %parallel_loop3A_196 = vector.broadcast %parallel_loop3A_195 : f32 to vector<16xf32>
        %parallel_loop3A_197 = arith.mulf %parallel_loop3A_194, %parallel_loop3A_196 : vector<16xf32>
        %parallel_loop3A_198 = arith.index_cast %parallel_loop3A_154 : i32 to index
        %parallel_loop3A_199 = arith.constant 48 : index
        %parallel_loop3A_200 = tpu.vector_load %arg6[%parallel_loop3A_198, %parallel_loop3A_199] {strides = array<i32>} : memref<128x64xf32, #tpu.memory_space<vmem>>, vector<1x16xf32>,
        %parallel_loop3A_201 = vector.shape_cast %parallel_loop3A_200 : vector<1x16xf32> to vector<16xf32>
        %parallel_loop3A_202 = vector.shape_cast %parallel_loop3A_197 : vector<16xf32> to vector<1x16xf32>
        tpu.vector_store %arg6[%parallel_loop3A_198, %parallel_loop3A_199], %parallel_loop3A_202 {strides = array<i32>} : memref<128x64xf32, #tpu.memory_space<vmem>>, vector<1x16xf32>,
      } {sc.loop_unroll_factor = 8 : i64, sc.parallel_access}
      %add3A_54 = arith.addi %mul3A_2, %add3A_36 : i32
      %mul3A_55 = arith.constant 128 : i32
      %mul3A_56 = arith.muli %add3A_54, %mul3A_55 : i32
      %dma_start3A_57 = arith.constant 0 : i32
      %dma_start3A_58 = tpu.memref_slice %arg4[%mul3A_56, %dma_start3A_57] : memref<819200x64xf32, #tpu.memory_space<hbm>> -> memref<128x64xf32, #tpu.memory_space<hbm>>
      %dma_start3A_59 = arith.constant 0 : i32
      %dma_start3A_60 = tpu.memref_slice %arg4[%mul3A_56, %dma_start3A_59] : memref<819200x64xf32, #tpu.memory_space<hbm>> -> memref<128x64xf32, #tpu.memory_space<hbm>>
      tpu.enqueue_dma source(%arg6 : memref<128x64xf32, #tpu.memory_space<vmem>>) target(%dma_start3A_60 : memref<128x64xf32, #tpu.memory_space<hbm>>) target_semaphore(%arg14 : memref<!tpu.dma_semaphore, #tpu.memory_space<semaphore_mem>>)
      %add3A_61 = arith.constant 1 : i32
      %add3A_62 = arith.addi %mul3A_34, %add3A_61 : i32
      %dma_wait3A_63 = arith.constant 0 : i32
      %dma_wait3A_64 = arith.constant 0 : i32
      %dma_wait3A_65 = tpu.memref_slice %arg5[%dma_wait3A_63, %dma_wait3A_64] : memref<200x128xi32, #tpu.memory_space<vmem>> -> memref<1x128xi32, #tpu.memory_space<vmem>>
      %dma_wait3A_66 = tpu.memref_squeeze %dma_wait3A_65 : memref<1x128xi32, #tpu.memory_space<vmem>> -> memref<128xi32, #tpu.memory_space<vmem>>
      %dma_wait3A_67 = arith.constant 0 : i32
      %dma_wait3A_68 = arith.constant 0 : i32
      %dma_wait3A_69 = tpu.memref_slice %arg3[%dma_wait3A_67, %dma_wait3A_68] : memref<1000000x64xf32, #tpu.memory_space<hbm>> -> memref<1000000x64xf32, #tpu.memory_space<hbm>>
      tpu.wait_indirect_dma semaphore(%arg11 : memref<!tpu.dma_semaphore, #tpu.memory_space<semaphore_mem>>) src(%dma_wait3A_69 : memref<1000000x64xf32, #tpu.memory_space<hbm>>) dst(%arg7 : memref<128x64xf32, #tpu.memory_space<vmem>>)
      %ge3A_70 = arith.constant 2 : i32
      %ge3A_71 = arith.cmpi sge, %add3A_62, %ge3A_70 : i32
      %convert_element_type3A_72 = arith.extui %ge3A_71 : i1 to i32
      %cond3A_73 = arith.constant 0 : i32
      %cond3A_74 = arith.cmpi ne, %convert_element_type3A_72, %cond3A_73 : i32
      scf.if %cond3A_74 {
        %dma_wait3A_154 = arith.constant 0 : i32
        %dma_wait3A_155 = arith.constant 0 : i32
        %dma_wait3A_156 = tpu.memref_slice %arg4[%dma_wait3A_154, %dma_wait3A_155] : memref<819200x64xf32, #tpu.memory_space<hbm>> -> memref<128x64xf32, #tpu.memory_space<hbm>>
        %dma_wait3A_157 = arith.constant 0 : i32
        %dma_wait3A_158 = arith.constant 0 : i32
        %dma_wait3A_159 = tpu.memref_slice %arg4[%dma_wait3A_157, %dma_wait3A_158] : memref<819200x64xf32, #tpu.memory_space<hbm>> -> memref<128x64xf32, #tpu.memory_space<hbm>>
        tpu.wait_dma2 semaphore(%arg17 : memref<!tpu.dma_semaphore, #tpu.memory_space<semaphore_mem>>) src(%arg9 : memref<128x64xf32, #tpu.memory_space<vmem>>) dst(%dma_wait3A_159 : memref<128x64xf32, #tpu.memory_space<hbm>>)
      } else {
      }
      %add3A_75 = arith.constant 2 : i32
      %add3A_76 = arith.addi %add3A_62, %add3A_75 : i32
      %lt3A_77 = arith.constant 200 : i32
      %lt3A_78 = arith.cmpi slt, %add3A_76, %lt3A_77 : i32
      %convert_element_type3A_79 = arith.extui %lt3A_78 : i1 to i32
      %cond3A_80 = arith.constant 0 : i32
      %cond3A_81 = arith.cmpi ne, %convert_element_type3A_79, %cond3A_80 : i32
      scf.if %cond3A_81 {
        %add3A_154 = arith.constant 2 : i32
        %add3A_155 = arith.addi %add3A_62, %add3A_154 : i32
        %dma_start3A_156 = arith.constant 0 : i32
        %dma_start3A_157 = tpu.memref_slice %arg5[%add3A_155, %dma_start3A_156] : memref<200x128xi32, #tpu.memory_space<vmem>> -> memref<1x128xi32, #tpu.memory_space<vmem>>
        %dma_start3A_158 = tpu.memref_squeeze %dma_start3A_157 : memref<1x128xi32, #tpu.memory_space<vmem>> -> memref<128xi32, #tpu.memory_space<vmem>>
        %dma_start3A_159 = arith.constant 0 : i32
        %dma_start3A_160 = arith.constant 0 : i32
        %dma_start3A_161 = tpu.memref_slice %arg3[%dma_start3A_159, %dma_start3A_160] : memref<1000000x64xf32, #tpu.memory_space<hbm>> -> memref<1000000x64xf32, #tpu.memory_space<hbm>>
        tpu.enqueue_indirect_dma source(%dma_start3A_161 : memref<1000000x64xf32, #tpu.memory_space<hbm>>) target(%arg9 : memref<128x64xf32, #tpu.memory_space<vmem>>) offsets(%dma_start3A_158 : memref<128xi32, #tpu.memory_space<vmem>>) semaphore(%arg13 : memref<!tpu.dma_semaphore, #tpu.memory_space<semaphore_mem>>)
      } else {
      }
      %parallel_loop3A_82 = arith.constant 0 : i32
      %parallel_loop3A_83 = arith.constant 128 : i32
      %parallel_loop3A_84 = arith.constant 1 : i32
      scf.for %parallel_loop3A_154 = %parallel_loop3A_82 to %parallel_loop3A_83 step %parallel_loop3A_84  : i32 {
        %parallel_loop3A_155 = arith.index_cast %parallel_loop3A_154 : i32 to index
        %parallel_loop3A_156 = arith.constant 0 : index
        %parallel_loop3A_157 = tpu.vector_load %arg7[%parallel_loop3A_155, %parallel_loop3A_156] {strides = array<i32>} : memref<128x64xf32, #tpu.memory_space<vmem>>, vector<1x16xf32>,
        %parallel_loop3A_158 = vector.shape_cast %parallel_loop3A_157 : vector<1x16xf32> to vector<16xf32>
        %parallel_loop3A_159 = arith.constant 8.000000e+00 : f32
        %parallel_loop3A_160 = vector.broadcast %parallel_loop3A_159 : f32 to vector<16xf32>
        %parallel_loop3A_161 = arith.mulf %parallel_loop3A_158, %parallel_loop3A_160 : vector<16xf32>
        %parallel_loop3A_162 = arith.index_cast %parallel_loop3A_154 : i32 to index
        %parallel_loop3A_163 = arith.constant 0 : index
        %parallel_loop3A_164 = tpu.vector_load %arg7[%parallel_loop3A_162, %parallel_loop3A_163] {strides = array<i32>} : memref<128x64xf32, #tpu.memory_space<vmem>>, vector<1x16xf32>,
        %parallel_loop3A_165 = vector.shape_cast %parallel_loop3A_164 : vector<1x16xf32> to vector<16xf32>
        %parallel_loop3A_166 = vector.shape_cast %parallel_loop3A_161 : vector<16xf32> to vector<1x16xf32>
        tpu.vector_store %arg7[%parallel_loop3A_162, %parallel_loop3A_163], %parallel_loop3A_166 {strides = array<i32>} : memref<128x64xf32, #tpu.memory_space<vmem>>, vector<1x16xf32>,
        %parallel_loop3A_167 = arith.index_cast %parallel_loop3A_154 : i32 to index
        %parallel_loop3A_168 = arith.constant 16 : index
        %parallel_loop3A_169 = tpu.vector_load %arg7[%parallel_loop3A_167, %parallel_loop3A_168] {strides = array<i32>} : memref<128x64xf32, #tpu.memory_space<vmem>>, vector<1x16xf32>,
        %parallel_loop3A_170 = vector.shape_cast %parallel_loop3A_169 : vector<1x16xf32> to vector<16xf32>
        %parallel_loop3A_171 = arith.constant 8.000000e+00 : f32
        %parallel_loop3A_172 = vector.broadcast %parallel_loop3A_171 : f32 to vector<16xf32>
        %parallel_loop3A_173 = arith.mulf %parallel_loop3A_170, %parallel_loop3A_172 : vector<16xf32>
        %parallel_loop3A_174 = arith.index_cast %parallel_loop3A_154 : i32 to index
        %parallel_loop3A_175 = arith.constant 16 : index
        %parallel_loop3A_176 = tpu.vector_load %arg7[%parallel_loop3A_174, %parallel_loop3A_175] {strides = array<i32>} : memref<128x64xf32, #tpu.memory_space<vmem>>, vector<1x16xf32>,
        %parallel_loop3A_177 = vector.shape_cast %parallel_loop3A_176 : vector<1x16xf32> to vector<16xf32>
        %parallel_loop3A_178 = vector.shape_cast %parallel_loop3A_173 : vector<16xf32> to vector<1x16xf32>
        tpu.vector_store %arg7[%parallel_loop3A_174, %parallel_loop3A_175], %parallel_loop3A_178 {strides = array<i32>} : memref<128x64xf32, #tpu.memory_space<vmem>>, vector<1x16xf32>,
        %parallel_loop3A_179 = arith.index_cast %parallel_loop3A_154 : i32 to index
        %parallel_loop3A_180 = arith.constant 32 : index
        %parallel_loop3A_181 = tpu.vector_load %arg7[%parallel_loop3A_179, %parallel_loop3A_180] {strides = array<i32>} : memref<128x64xf32, #tpu.memory_space<vmem>>, vector<1x16xf32>,
        %parallel_loop3A_182 = vector.shape_cast %parallel_loop3A_181 : vector<1x16xf32> to vector<16xf32>
        %parallel_loop3A_183 = arith.constant 8.000000e+00 : f32
        %parallel_loop3A_184 = vector.broadcast %parallel_loop3A_183 : f32 to vector<16xf32>
        %parallel_loop3A_185 = arith.mulf %parallel_loop3A_182, %parallel_loop3A_184 : vector<16xf32>
        %parallel_loop3A_186 = arith.index_cast %parallel_loop3A_154 : i32 to index
        %parallel_loop3A_187 = arith.constant 32 : index
        %parallel_loop3A_188 = tpu.vector_load %arg7[%parallel_loop3A_186, %parallel_loop3A_187] {strides = array<i32>} : memref<128x64xf32, #tpu.memory_space<vmem>>, vector<1x16xf32>,
        %parallel_loop3A_189 = vector.shape_cast %parallel_loop3A_188 : vector<1x16xf32> to vector<16xf32>
        %parallel_loop3A_190 = vector.shape_cast %parallel_loop3A_185 : vector<16xf32> to vector<1x16xf32>
        tpu.vector_store %arg7[%parallel_loop3A_186, %parallel_loop3A_187], %parallel_loop3A_190 {strides = array<i32>} : memref<128x64xf32, #tpu.memory_space<vmem>>, vector<1x16xf32>,
        %parallel_loop3A_191 = arith.index_cast %parallel_loop3A_154 : i32 to index
        %parallel_loop3A_192 = arith.constant 48 : index
        %parallel_loop3A_193 = tpu.vector_load %arg7[%parallel_loop3A_191, %parallel_loop3A_192] {strides = array<i32>} : memref<128x64xf32, #tpu.memory_space<vmem>>, vector<1x16xf32>,
        %parallel_loop3A_194 = vector.shape_cast %parallel_loop3A_193 : vector<1x16xf32> to vector<16xf32>
        %parallel_loop3A_195 = arith.constant 8.000000e+00 : f32
        %parallel_loop3A_196 = vector.broadcast %parallel_loop3A_195 : f32 to vector<16xf32>
        %parallel_loop3A_197 = arith.mulf %parallel_loop3A_194, %parallel_loop3A_196 : vector<16xf32>
        %parallel_loop3A_198 = arith.index_cast %parallel_loop3A_154 : i32 to index
        %parallel_loop3A_199 = arith.constant 48 : index
        %parallel_loop3A_200 = tpu.vector_load %arg7[%parallel_loop3A_198, %parallel_loop3A_199] {strides = array<i32>} : memref<128x64xf32, #tpu.memory_space<vmem>>, vector<1x16xf32>,
        %parallel_loop3A_201 = vector.shape_cast %parallel_loop3A_200 : vector<1x16xf32> to vector<16xf32>
        %parallel_loop3A_202 = vector.shape_cast %parallel_loop3A_197 : vector<16xf32> to vector<1x16xf32>
        tpu.vector_store %arg7[%parallel_loop3A_198, %parallel_loop3A_199], %parallel_loop3A_202 {strides = array<i32>} : memref<128x64xf32, #tpu.memory_space<vmem>>, vector<1x16xf32>,
      } {sc.loop_unroll_factor = 8 : i64, sc.parallel_access}
      %add3A_85 = arith.addi %mul3A_2, %add3A_62 : i32
      %mul3A_86 = arith.constant 128 : i32
      %mul3A_87 = arith.muli %add3A_85, %mul3A_86 : i32
      %dma_start3A_88 = arith.constant 0 : i32
      %dma_start3A_89 = tpu.memref_slice %arg4[%mul3A_87, %dma_start3A_88] : memref<819200x64xf32, #tpu.memory_space<hbm>> -> memref<128x64xf32, #tpu.memory_space<hbm>>
      %dma_start3A_90 = arith.constant 0 : i32
      %dma_start3A_91 = tpu.memref_slice %arg4[%mul3A_87, %dma_start3A_90] : memref<819200x64xf32, #tpu.memory_space<hbm>> -> memref<128x64xf32, #tpu.memory_space<hbm>>
      tpu.enqueue_dma source(%arg7 : memref<128x64xf32, #tpu.memory_space<vmem>>) target(%dma_start3A_91 : memref<128x64xf32, #tpu.memory_space<hbm>>) target_semaphore(%arg15 : memref<!tpu.dma_semaphore, #tpu.memory_space<semaphore_mem>>)
      %add3A_92 = arith.constant 2 : i32
      %add3A_93 = arith.addi %mul3A_34, %add3A_92 : i32
      %dma_wait3A_94 = arith.constant 0 : i32
      %dma_wait3A_95 = arith.constant 0 : i32
      %dma_wait3A_96 = tpu.memref_slice %arg5[%dma_wait3A_94, %dma_wait3A_95] : memref<200x128xi32, #tpu.memory_space<vmem>> -> memref<1x128xi32, #tpu.memory_space<vmem>>
      %dma_wait3A_97 = tpu.memref_squeeze %dma_wait3A_96 : memref<1x128xi32, #tpu.memory_space<vmem>> -> memref<128xi32, #tpu.memory_space<vmem>>
      %dma_wait3A_98 = arith.constant 0 : i32
      %dma_wait3A_99 = arith.constant 0 : i32
      %dma_wait3A_100 = tpu.memref_slice %arg3[%dma_wait3A_98, %dma_wait3A_99] : memref<1000000x64xf32, #tpu.memory_space<hbm>> -> memref<1000000x64xf32, #tpu.memory_space<hbm>>
      tpu.wait_indirect_dma semaphore(%arg12 : memref<!tpu.dma_semaphore, #tpu.memory_space<semaphore_mem>>) src(%dma_wait3A_100 : memref<1000000x64xf32, #tpu.memory_space<hbm>>) dst(%arg8 : memref<128x64xf32, #tpu.memory_space<vmem>>)
      %ge3A_101 = arith.constant 2 : i32
      %ge3A_102 = arith.cmpi sge, %add3A_93, %ge3A_101 : i32
      %convert_element_type3A_103 = arith.extui %ge3A_102 : i1 to i32
      %cond3A_104 = arith.constant 0 : i32
      %cond3A_105 = arith.cmpi ne, %convert_element_type3A_103, %cond3A_104 : i32
      scf.if %cond3A_105 {
        %dma_wait3A_154 = arith.constant 0 : i32
        %dma_wait3A_155 = arith.constant 0 : i32
        %dma_wait3A_156 = tpu.memref_slice %arg4[%dma_wait3A_154, %dma_wait3A_155] : memref<819200x64xf32, #tpu.memory_space<hbm>> -> memref<128x64xf32, #tpu.memory_space<hbm>>
        %dma_wait3A_157 = arith.constant 0 : i32
        %dma_wait3A_158 = arith.constant 0 : i32
        %dma_wait3A_159 = tpu.memref_slice %arg4[%dma_wait3A_157, %dma_wait3A_158] : memref<819200x64xf32, #tpu.memory_space<hbm>> -> memref<128x64xf32, #tpu.memory_space<hbm>>
        tpu.wait_dma2 semaphore(%arg14 : memref<!tpu.dma_semaphore, #tpu.memory_space<semaphore_mem>>) src(%arg6 : memref<128x64xf32, #tpu.memory_space<vmem>>) dst(%dma_wait3A_159 : memref<128x64xf32, #tpu.memory_space<hbm>>)
      } else {
      }
      %add3A_106 = arith.constant 2 : i32
      %add3A_107 = arith.addi %add3A_93, %add3A_106 : i32
      %lt3A_108 = arith.constant 200 : i32
      %lt3A_109 = arith.cmpi slt, %add3A_107, %lt3A_108 : i32
      %convert_element_type3A_110 = arith.extui %lt3A_109 : i1 to i32
      %cond3A_111 = arith.constant 0 : i32
      %cond3A_112 = arith.cmpi ne, %convert_element_type3A_110, %cond3A_111 : i32
      scf.if %cond3A_112 {
        %add3A_154 = arith.constant 2 : i32
        %add3A_155 = arith.addi %add3A_93, %add3A_154 : i32
        %dma_start3A_156 = arith.constant 0 : i32
        %dma_start3A_157 = tpu.memref_slice %arg5[%add3A_155, %dma_start3A_156] : memref<200x128xi32, #tpu.memory_space<vmem>> -> memref<1x128xi32, #tpu.memory_space<vmem>>
        %dma_start3A_158 = tpu.memref_squeeze %dma_start3A_157 : memref<1x128xi32, #tpu.memory_space<vmem>> -> memref<128xi32, #tpu.memory_space<vmem>>
        %dma_start3A_159 = arith.constant 0 : i32
        %dma_start3A_160 = arith.constant 0 : i32
        %dma_start3A_161 = tpu.memref_slice %arg3[%dma_start3A_159, %dma_start3A_160] : memref<1000000x64xf32, #tpu.memory_space<hbm>> -> memref<1000000x64xf32, #tpu.memory_space<hbm>>
        tpu.enqueue_indirect_dma source(%dma_start3A_161 : memref<1000000x64xf32, #tpu.memory_space<hbm>>) target(%arg6 : memref<128x64xf32, #tpu.memory_space<vmem>>) offsets(%dma_start3A_158 : memref<128xi32, #tpu.memory_space<vmem>>) semaphore(%arg10 : memref<!tpu.dma_semaphore, #tpu.memory_space<semaphore_mem>>)
      } else {
      }
      %parallel_loop3A_113 = arith.constant 0 : i32
      %parallel_loop3A_114 = arith.constant 128 : i32
      %parallel_loop3A_115 = arith.constant 1 : i32
      scf.for %parallel_loop3A_154 = %parallel_loop3A_113 to %parallel_loop3A_114 step %parallel_loop3A_115  : i32 {
        %parallel_loop3A_155 = arith.index_cast %parallel_loop3A_154 : i32 to index
        %parallel_loop3A_156 = arith.constant 0 : index
        %parallel_loop3A_157 = tpu.vector_load %arg8[%parallel_loop3A_155, %parallel_loop3A_156] {strides = array<i32>} : memref<128x64xf32, #tpu.memory_space<vmem>>, vector<1x16xf32>,
        %parallel_loop3A_158 = vector.shape_cast %parallel_loop3A_157 : vector<1x16xf32> to vector<16xf32>
        %parallel_loop3A_159 = arith.constant 8.000000e+00 : f32
        %parallel_loop3A_160 = vector.broadcast %parallel_loop3A_159 : f32 to vector<16xf32>
        %parallel_loop3A_161 = arith.mulf %parallel_loop3A_158, %parallel_loop3A_160 : vector<16xf32>
        %parallel_loop3A_162 = arith.index_cast %parallel_loop3A_154 : i32 to index
        %parallel_loop3A_163 = arith.constant 0 : index
        %parallel_loop3A_164 = tpu.vector_load %arg8[%parallel_loop3A_162, %parallel_loop3A_163] {strides = array<i32>} : memref<128x64xf32, #tpu.memory_space<vmem>>, vector<1x16xf32>,
        %parallel_loop3A_165 = vector.shape_cast %parallel_loop3A_164 : vector<1x16xf32> to vector<16xf32>
        %parallel_loop3A_166 = vector.shape_cast %parallel_loop3A_161 : vector<16xf32> to vector<1x16xf32>
        tpu.vector_store %arg8[%parallel_loop3A_162, %parallel_loop3A_163], %parallel_loop3A_166 {strides = array<i32>} : memref<128x64xf32, #tpu.memory_space<vmem>>, vector<1x16xf32>,
        %parallel_loop3A_167 = arith.index_cast %parallel_loop3A_154 : i32 to index
        %parallel_loop3A_168 = arith.constant 16 : index
        %parallel_loop3A_169 = tpu.vector_load %arg8[%parallel_loop3A_167, %parallel_loop3A_168] {strides = array<i32>} : memref<128x64xf32, #tpu.memory_space<vmem>>, vector<1x16xf32>,
        %parallel_loop3A_170 = vector.shape_cast %parallel_loop3A_169 : vector<1x16xf32> to vector<16xf32>
        %parallel_loop3A_171 = arith.constant 8.000000e+00 : f32
        %parallel_loop3A_172 = vector.broadcast %parallel_loop3A_171 : f32 to vector<16xf32>
        %parallel_loop3A_173 = arith.mulf %parallel_loop3A_170, %parallel_loop3A_172 : vector<16xf32>
        %parallel_loop3A_174 = arith.index_cast %parallel_loop3A_154 : i32 to index
        %parallel_loop3A_175 = arith.constant 16 : index
        %parallel_loop3A_176 = tpu.vector_load %arg8[%parallel_loop3A_174, %parallel_loop3A_175] {strides = array<i32>} : memref<128x64xf32, #tpu.memory_space<vmem>>, vector<1x16xf32>,
        %parallel_loop3A_177 = vector.shape_cast %parallel_loop3A_176 : vector<1x16xf32> to vector<16xf32>
        %parallel_loop3A_178 = vector.shape_cast %parallel_loop3A_173 : vector<16xf32> to vector<1x16xf32>
        tpu.vector_store %arg8[%parallel_loop3A_174, %parallel_loop3A_175], %parallel_loop3A_178 {strides = array<i32>} : memref<128x64xf32, #tpu.memory_space<vmem>>, vector<1x16xf32>,
        %parallel_loop3A_179 = arith.index_cast %parallel_loop3A_154 : i32 to index
        %parallel_loop3A_180 = arith.constant 32 : index
        %parallel_loop3A_181 = tpu.vector_load %arg8[%parallel_loop3A_179, %parallel_loop3A_180] {strides = array<i32>} : memref<128x64xf32, #tpu.memory_space<vmem>>, vector<1x16xf32>,
        %parallel_loop3A_182 = vector.shape_cast %parallel_loop3A_181 : vector<1x16xf32> to vector<16xf32>
        %parallel_loop3A_183 = arith.constant 8.000000e+00 : f32
        %parallel_loop3A_184 = vector.broadcast %parallel_loop3A_183 : f32 to vector<16xf32>
        %parallel_loop3A_185 = arith.mulf %parallel_loop3A_182, %parallel_loop3A_184 : vector<16xf32>
        %parallel_loop3A_186 = arith.index_cast %parallel_loop3A_154 : i32 to index
        %parallel_loop3A_187 = arith.constant 32 : index
        %parallel_loop3A_188 = tpu.vector_load %arg8[%parallel_loop3A_186, %parallel_loop3A_187] {strides = array<i32>} : memref<128x64xf32, #tpu.memory_space<vmem>>, vector<1x16xf32>,
        %parallel_loop3A_189 = vector.shape_cast %parallel_loop3A_188 : vector<1x16xf32> to vector<16xf32>
        %parallel_loop3A_190 = vector.shape_cast %parallel_loop3A_185 : vector<16xf32> to vector<1x16xf32>
        tpu.vector_store %arg8[%parallel_loop3A_186, %parallel_loop3A_187], %parallel_loop3A_190 {strides = array<i32>} : memref<128x64xf32, #tpu.memory_space<vmem>>, vector<1x16xf32>,
        %parallel_loop3A_191 = arith.index_cast %parallel_loop3A_154 : i32 to index
        %parallel_loop3A_192 = arith.constant 48 : index
        %parallel_loop3A_193 = tpu.vector_load %arg8[%parallel_loop3A_191, %parallel_loop3A_192] {strides = array<i32>} : memref<128x64xf32, #tpu.memory_space<vmem>>, vector<1x16xf32>,
        %parallel_loop3A_194 = vector.shape_cast %parallel_loop3A_193 : vector<1x16xf32> to vector<16xf32>
        %parallel_loop3A_195 = arith.constant 8.000000e+00 : f32
        %parallel_loop3A_196 = vector.broadcast %parallel_loop3A_195 : f32 to vector<16xf32>
        %parallel_loop3A_197 = arith.mulf %parallel_loop3A_194, %parallel_loop3A_196 : vector<16xf32>
        %parallel_loop3A_198 = arith.index_cast %parallel_loop3A_154 : i32 to index
        %parallel_loop3A_199 = arith.constant 48 : index
        %parallel_loop3A_200 = tpu.vector_load %arg8[%parallel_loop3A_198, %parallel_loop3A_199] {strides = array<i32>} : memref<128x64xf32, #tpu.memory_space<vmem>>, vector<1x16xf32>,
        %parallel_loop3A_201 = vector.shape_cast %parallel_loop3A_200 : vector<1x16xf32> to vector<16xf32>
        %parallel_loop3A_202 = vector.shape_cast %parallel_loop3A_197 : vector<16xf32> to vector<1x16xf32>
        tpu.vector_store %arg8[%parallel_loop3A_198, %parallel_loop3A_199], %parallel_loop3A_202 {strides = array<i32>} : memref<128x64xf32, #tpu.memory_space<vmem>>, vector<1x16xf32>,
      } {sc.loop_unroll_factor = 8 : i64, sc.parallel_access}
      %add3A_116 = arith.addi %mul3A_2, %add3A_93 : i32
      %mul3A_117 = arith.constant 128 : i32
      %mul3A_118 = arith.muli %add3A_116, %mul3A_117 : i32
      %dma_start3A_119 = arith.constant 0 : i32
      %dma_start3A_120 = tpu.memref_slice %arg4[%mul3A_118, %dma_start3A_119] : memref<819200x64xf32, #tpu.memory_space<hbm>> -> memref<128x64xf32, #tpu.memory_space<hbm>>
      %dma_start3A_121 = arith.constant 0 : i32
      %dma_start3A_122 = tpu.memref_slice %arg4[%mul3A_118, %dma_start3A_121] : memref<819200x64xf32, #tpu.memory_space<hbm>> -> memref<128x64xf32, #tpu.memory_space<hbm>>
      tpu.enqueue_dma source(%arg8 : memref<128x64xf32, #tpu.memory_space<vmem>>) target(%dma_start3A_122 : memref<128x64xf32, #tpu.memory_space<hbm>>) target_semaphore(%arg16 : memref<!tpu.dma_semaphore, #tpu.memory_space<semaphore_mem>>)
      %add3A_123 = arith.constant 3 : i32
      %add3A_124 = arith.addi %mul3A_34, %add3A_123 : i32
      %dma_wait3A_125 = arith.constant 0 : i32
      %dma_wait3A_126 = arith.constant 0 : i32
      %dma_wait3A_127 = tpu.memref_slice %arg5[%dma_wait3A_125, %dma_wait3A_126] : memref<200x128xi32, #tpu.memory_space<vmem>> -> memref<1x128xi32, #tpu.memory_space<vmem>>
      %dma_wait3A_128 = tpu.memref_squeeze %dma_wait3A_127 : memref<1x128xi32, #tpu.memory_space<vmem>> -> memref<128xi32, #tpu.memory_space<vmem>>
      %dma_wait3A_129 = arith.constant 0 : i32
      %dma_wait3A_130 = arith.constant 0 : i32
      %dma_wait3A_131 = tpu.memref_slice %arg3[%dma_wait3A_129, %dma_wait3A_130] : memref<1000000x64xf32, #tpu.memory_space<hbm>> -> memref<1000000x64xf32, #tpu.memory_space<hbm>>
      tpu.wait_indirect_dma semaphore(%arg13 : memref<!tpu.dma_semaphore, #tpu.memory_space<semaphore_mem>>) src(%dma_wait3A_131 : memref<1000000x64xf32, #tpu.memory_space<hbm>>) dst(%arg9 : memref<128x64xf32, #tpu.memory_space<vmem>>)
      %ge3A_132 = arith.constant 2 : i32
      %ge3A_133 = arith.cmpi sge, %add3A_124, %ge3A_132 : i32
      %convert_element_type3A_134 = arith.extui %ge3A_133 : i1 to i32
      %cond3A_135 = arith.constant 0 : i32
      %cond3A_136 = arith.cmpi ne, %convert_element_type3A_134, %cond3A_135 : i32
      scf.if %cond3A_136 {
        %dma_wait3A_154 = arith.constant 0 : i32
        %dma_wait3A_155 = arith.constant 0 : i32
        %dma_wait3A_156 = tpu.memref_slice %arg4[%dma_wait3A_154, %dma_wait3A_155] : memref<819200x64xf32, #tpu.memory_space<hbm>> -> memref<128x64xf32, #tpu.memory_space<hbm>>
        %dma_wait3A_157 = arith.constant 0 : i32
        %dma_wait3A_158 = arith.constant 0 : i32
        %dma_wait3A_159 = tpu.memref_slice %arg4[%dma_wait3A_157, %dma_wait3A_158] : memref<819200x64xf32, #tpu.memory_space<hbm>> -> memref<128x64xf32, #tpu.memory_space<hbm>>
        tpu.wait_dma2 semaphore(%arg15 : memref<!tpu.dma_semaphore, #tpu.memory_space<semaphore_mem>>) src(%arg7 : memref<128x64xf32, #tpu.memory_space<vmem>>) dst(%dma_wait3A_159 : memref<128x64xf32, #tpu.memory_space<hbm>>)
      } else {
      }
      %add3A_137 = arith.constant 2 : i32
      %add3A_138 = arith.addi %add3A_124, %add3A_137 : i32
      %lt3A_139 = arith.constant 200 : i32
      %lt3A_140 = arith.cmpi slt, %add3A_138, %lt3A_139 : i32
      %convert_element_type3A_141 = arith.extui %lt3A_140 : i1 to i32
      %cond3A_142 = arith.constant 0 : i32
      %cond3A_143 = arith.cmpi ne, %convert_element_type3A_141, %cond3A_142 : i32
      scf.if %cond3A_143 {
        %add3A_154 = arith.constant 2 : i32
        %add3A_155 = arith.addi %add3A_124, %add3A_154 : i32
        %dma_start3A_156 = arith.constant 0 : i32
        %dma_start3A_157 = tpu.memref_slice %arg5[%add3A_155, %dma_start3A_156] : memref<200x128xi32, #tpu.memory_space<vmem>> -> memref<1x128xi32, #tpu.memory_space<vmem>>
        %dma_start3A_158 = tpu.memref_squeeze %dma_start3A_157 : memref<1x128xi32, #tpu.memory_space<vmem>> -> memref<128xi32, #tpu.memory_space<vmem>>
        %dma_start3A_159 = arith.constant 0 : i32
        %dma_start3A_160 = arith.constant 0 : i32
        %dma_start3A_161 = tpu.memref_slice %arg3[%dma_start3A_159, %dma_start3A_160] : memref<1000000x64xf32, #tpu.memory_space<hbm>> -> memref<1000000x64xf32, #tpu.memory_space<hbm>>
        tpu.enqueue_indirect_dma source(%dma_start3A_161 : memref<1000000x64xf32, #tpu.memory_space<hbm>>) target(%arg7 : memref<128x64xf32, #tpu.memory_space<vmem>>) offsets(%dma_start3A_158 : memref<128xi32, #tpu.memory_space<vmem>>) semaphore(%arg11 : memref<!tpu.dma_semaphore, #tpu.memory_space<semaphore_mem>>)
      } else {
      }
      %parallel_loop3A_144 = arith.constant 0 : i32
      %parallel_loop3A_145 = arith.constant 128 : i32
      %parallel_loop3A_146 = arith.constant 1 : i32
      scf.for %parallel_loop3A_154 = %parallel_loop3A_144 to %parallel_loop3A_145 step %parallel_loop3A_146  : i32 {
        %parallel_loop3A_155 = arith.index_cast %parallel_loop3A_154 : i32 to index
        %parallel_loop3A_156 = arith.constant 0 : index
        %parallel_loop3A_157 = tpu.vector_load %arg9[%parallel_loop3A_155, %parallel_loop3A_156] {strides = array<i32>} : memref<128x64xf32, #tpu.memory_space<vmem>>, vector<1x16xf32>,
        %parallel_loop3A_158 = vector.shape_cast %parallel_loop3A_157 : vector<1x16xf32> to vector<16xf32>
        %parallel_loop3A_159 = arith.constant 8.000000e+00 : f32
        %parallel_loop3A_160 = vector.broadcast %parallel_loop3A_159 : f32 to vector<16xf32>
        %parallel_loop3A_161 = arith.mulf %parallel_loop3A_158, %parallel_loop3A_160 : vector<16xf32>
        %parallel_loop3A_162 = arith.index_cast %parallel_loop3A_154 : i32 to index
        %parallel_loop3A_163 = arith.constant 0 : index
        %parallel_loop3A_164 = tpu.vector_load %arg9[%parallel_loop3A_162, %parallel_loop3A_163] {strides = array<i32>} : memref<128x64xf32, #tpu.memory_space<vmem>>, vector<1x16xf32>,
        %parallel_loop3A_165 = vector.shape_cast %parallel_loop3A_164 : vector<1x16xf32> to vector<16xf32>
        %parallel_loop3A_166 = vector.shape_cast %parallel_loop3A_161 : vector<16xf32> to vector<1x16xf32>
        tpu.vector_store %arg9[%parallel_loop3A_162, %parallel_loop3A_163], %parallel_loop3A_166 {strides = array<i32>} : memref<128x64xf32, #tpu.memory_space<vmem>>, vector<1x16xf32>,
        %parallel_loop3A_167 = arith.index_cast %parallel_loop3A_154 : i32 to index
        %parallel_loop3A_168 = arith.constant 16 : index
        %parallel_loop3A_169 = tpu.vector_load %arg9[%parallel_loop3A_167, %parallel_loop3A_168] {strides = array<i32>} : memref<128x64xf32, #tpu.memory_space<vmem>>, vector<1x16xf32>,
        %parallel_loop3A_170 = vector.shape_cast %parallel_loop3A_169 : vector<1x16xf32> to vector<16xf32>
        %parallel_loop3A_171 = arith.constant 8.000000e+00 : f32
        %parallel_loop3A_172 = vector.broadcast %parallel_loop3A_171 : f32 to vector<16xf32>
        %parallel_loop3A_173 = arith.mulf %parallel_loop3A_170, %parallel_loop3A_172 : vector<16xf32>
        %parallel_loop3A_174 = arith.index_cast %parallel_loop3A_154 : i32 to index
        %parallel_loop3A_175 = arith.constant 16 : index
        %parallel_loop3A_176 = tpu.vector_load %arg9[%parallel_loop3A_174, %parallel_loop3A_175] {strides = array<i32>} : memref<128x64xf32, #tpu.memory_space<vmem>>, vector<1x16xf32>,
        %parallel_loop3A_177 = vector.shape_cast %parallel_loop3A_176 : vector<1x16xf32> to vector<16xf32>
        %parallel_loop3A_178 = vector.shape_cast %parallel_loop3A_173 : vector<16xf32> to vector<1x16xf32>
        tpu.vector_store %arg9[%parallel_loop3A_174, %parallel_loop3A_175], %parallel_loop3A_178 {strides = array<i32>} : memref<128x64xf32, #tpu.memory_space<vmem>>, vector<1x16xf32>,
        %parallel_loop3A_179 = arith.index_cast %parallel_loop3A_154 : i32 to index
        %parallel_loop3A_180 = arith.constant 32 : index
        %parallel_loop3A_181 = tpu.vector_load %arg9[%parallel_loop3A_179, %parallel_loop3A_180] {strides = array<i32>} : memref<128x64xf32, #tpu.memory_space<vmem>>, vector<1x16xf32>,
        %parallel_loop3A_182 = vector.shape_cast %parallel_loop3A_181 : vector<1x16xf32> to vector<16xf32>
        %parallel_loop3A_183 = arith.constant 8.000000e+00 : f32
        %parallel_loop3A_184 = vector.broadcast %parallel_loop3A_183 : f32 to vector<16xf32>
        %parallel_loop3A_185 = arith.mulf %parallel_loop3A_182, %parallel_loop3A_184 : vector<16xf32>
        %parallel_loop3A_186 = arith.index_cast %parallel_loop3A_154 : i32 to index
        %parallel_loop3A_187 = arith.constant 32 : index
        %parallel_loop3A_188 = tpu.vector_load %arg9[%parallel_loop3A_186, %parallel_loop3A_187] {strides = array<i32>} : memref<128x64xf32, #tpu.memory_space<vmem>>, vector<1x16xf32>,
        %parallel_loop3A_189 = vector.shape_cast %parallel_loop3A_188 : vector<1x16xf32> to vector<16xf32>
        %parallel_loop3A_190 = vector.shape_cast %parallel_loop3A_185 : vector<16xf32> to vector<1x16xf32>
        tpu.vector_store %arg9[%parallel_loop3A_186, %parallel_loop3A_187], %parallel_loop3A_190 {strides = array<i32>} : memref<128x64xf32, #tpu.memory_space<vmem>>, vector<1x16xf32>,
        %parallel_loop3A_191 = arith.index_cast %parallel_loop3A_154 : i32 to index
        %parallel_loop3A_192 = arith.constant 48 : index
        %parallel_loop3A_193 = tpu.vector_load %arg9[%parallel_loop3A_191, %parallel_loop3A_192] {strides = array<i32>} : memref<128x64xf32, #tpu.memory_space<vmem>>, vector<1x16xf32>,
        %parallel_loop3A_194 = vector.shape_cast %parallel_loop3A_193 : vector<1x16xf32> to vector<16xf32>
        %parallel_loop3A_195 = arith.constant 8.000000e+00 : f32
        %parallel_loop3A_196 = vector.broadcast %parallel_loop3A_195 : f32 to vector<16xf32>
        %parallel_loop3A_197 = arith.mulf %parallel_loop3A_194, %parallel_loop3A_196 : vector<16xf32>
        %parallel_loop3A_198 = arith.index_cast %parallel_loop3A_154 : i32 to index
        %parallel_loop3A_199 = arith.constant 48 : index
        %parallel_loop3A_200 = tpu.vector_load %arg9[%parallel_loop3A_198, %parallel_loop3A_199] {strides = array<i32>} : memref<128x64xf32, #tpu.memory_space<vmem>>, vector<1x16xf32>,
        %parallel_loop3A_201 = vector.shape_cast %parallel_loop3A_200 : vector<1x16xf32> to vector<16xf32>
        %parallel_loop3A_202 = vector.shape_cast %parallel_loop3A_197 : vector<16xf32> to vector<1x16xf32>
        tpu.vector_store %arg9[%parallel_loop3A_198, %parallel_loop3A_199], %parallel_loop3A_202 {strides = array<i32>} : memref<128x64xf32, #tpu.memory_space<vmem>>, vector<1x16xf32>,
      } {sc.loop_unroll_factor = 8 : i64, sc.parallel_access}
      %add3A_147 = arith.addi %mul3A_2, %add3A_124 : i32
      %mul3A_148 = arith.constant 128 : i32
      %mul3A_149 = arith.muli %add3A_147, %mul3A_148 : i32
      %dma_start3A_150 = arith.constant 0 : i32
      %dma_start3A_151 = tpu.memref_slice %arg4[%mul3A_149, %dma_start3A_150] : memref<819200x64xf32, #tpu.memory_space<hbm>> -> memref<128x64xf32, #tpu.memory_space<hbm>>
      %dma_start3A_152 = arith.constant 0 : i32
      %dma_start3A_153 = tpu.memref_slice %arg4[%mul3A_149, %dma_start3A_152] : memref<819200x64xf32, #tpu.memory_space<hbm>> -> memref<128x64xf32, #tpu.memory_space<hbm>>
      tpu.enqueue_dma source(%arg9 : memref<128x64xf32, #tpu.memory_space<vmem>>) target(%dma_start3A_153 : memref<128x64xf32, #tpu.memory_space<hbm>>) target_semaphore(%arg17 : memref<!tpu.dma_semaphore, #tpu.memory_space<semaphore_mem>>)
    }
    %scan3A_20 = arith.constant 50 : i32
    %dma_wait3A = arith.constant 0 : i32
    %dma_wait3A_21 = arith.constant 0 : i32
    %dma_wait3A_22 = tpu.memref_slice %arg4[%dma_wait3A, %dma_wait3A_21] : memref<819200x64xf32, #tpu.memory_space<hbm>> -> memref<128x64xf32, #tpu.memory_space<hbm>>
    %dma_wait3A_23 = arith.constant 0 : i32
    %dma_wait3A_24 = arith.constant 0 : i32
    %dma_wait3A_25 = tpu.memref_slice %arg4[%dma_wait3A_23, %dma_wait3A_24] : memref<819200x64xf32, #tpu.memory_space<hbm>> -> memref<128x64xf32, #tpu.memory_space<hbm>>
    tpu.wait_dma2 semaphore(%arg16 : memref<!tpu.dma_semaphore, #tpu.memory_space<semaphore_mem>>) src(%arg8 : memref<128x64xf32, #tpu.memory_space<vmem>>) dst(%dma_wait3A_25 : memref<128x64xf32, #tpu.memory_space<hbm>>)
    %dma_wait3A_26 = arith.constant 0 : i32
    %dma_wait3A_27 = arith.constant 0 : i32
    %dma_wait3A_28 = tpu.memref_slice %arg4[%dma_wait3A_26, %dma_wait3A_27] : memref<819200x64xf32, #tpu.memory_space<hbm>> -> memref<128x64xf32, #tpu.memory_space<hbm>>
    %dma_wait3A_29 = arith.constant 0 : i32
    %dma_wait3A_30 = arith.constant 0 : i32
    %dma_wait3A_31 = tpu.memref_slice %arg4[%dma_wait3A_29, %dma_wait3A_30] : memref<819200x64xf32, #tpu.memory_space<hbm>> -> memref<128x64xf32, #tpu.memory_space<hbm>>
    tpu.wait_dma2 semaphore(%arg17 : memref<!tpu.dma_semaphore, #tpu.memory_space<semaphore_mem>>) src(%arg9 : memref<128x64xf32, #tpu.memory_space<vmem>>) dst(%dma_wait3A_31 : memref<128x64xf32, #tpu.memory_space<hbm>>)
    return
  }
}

</mosaic_0001>

<sc_bundles>
// kernel: kernel.3.cloned.1.call-start
scs
__scs_entry_jumppad:
0x0: {  	(pc) =	sbr.rel $0x88, $3  }
0x1: {  	(tag) =	ssettag $0x0;
	lr =	simm.s32 $0x1  }
0x2: {  	[smem:$0x3F9F] =	sst lr;
	_ =	strace $0xD0000000  }
0x3: {  	_ = 	snop  }
0x4: {  	_ = 	snop  }
0x5: {  	_ = 	snop  }
0x6: {  	_ = 	snop  }
0x7: {  	_ = 	snop  }
__scs_overlays_trampoline_lowered:
0x8: {  	[smem:$0x3FAE] =	sst s0  }
0x9: {  	[smem:$0x3FAF] =	sst s1  }
0xa: {  	[smem:$0x3FB0] =	sst s2  }
0xb: {  	[smem:$0x3FB1] =	sst s3  }
0xc: {  	[smem:$0x3FB2] =	sst s4  }
0xd: {  	[smem:$0x3FB3] =	sst s5  }
0xe: {  	[smem:$0x3FB4] =	sst s6  }
0xf: {  	[smem:$0x3FB5] =	sst s7  }
0x10: {  	[smem:$0x3FB6] =	sst s8  }
0x11: {  	[smem:$0x3FB7] =	sst s9;
	s0 =	simm.s32 @!p0 $0x0  }
0x12: {  	s1 =	sld [smem:$0x3F9D];
	s0 =	simm.s32 @p0 $0x1  }
0x13: {  	[smem:$0x3FB8] =	sst s0;
	s0 =	simm.s32 @!p1 $0x0  }
0x14: {  	s2 =	sld [smem:$0x3F9C];
	s0 =	simm.s32 @p1 $0x1  }
0x15: {  	[smem:$0x3FB9] =	sst s0;
	s0 =	simm.s32 @!p2 $0x0  }
0x16: {  	s3 =	sld [smem:$0x3FDB];
	s0 =	simm.s32 @p2 $0x1  }
0x17: {  	s4 =	simm.s32 $0x1BF5;
	[smem:$0x3FBB] =	sst s0  }
0x18: {  	s0 =	sld [smem:$0x3F9E];
	_ =	swait.ge [sflag:s4], $0x0  }
0x19: {  	s7 =	sld [smem:$0x3F9F]  }
0x1a: {  	s8 =	sadd.s32 $0xFFFFE003, lr  }
0x1b: {  	s9 =	sadd.s32 $0xFFFFFEF7, lr;
	s5 =	simm.s32 $0xFFFFFFFF;
	p2 =	slt.u32 s8, $0xFFFFF086  }
0x1c: {  	p1 =	slt.u32 s9, $0xF7A;
	s5 =	simm.s32 @!p2 $0x0  }
0x1d: {  	s5 =	simm.s32 @p1 $0x1;
	p0 =	seq.s32 s7, s2  }
0x1e: {  	s7 =	smul.u32 @!p0 $0xF7A, s2;
	p2 =	seq.s32 @!p0 s5, $0x0  }
0x1f: {  	s9 =	smul.u32 $0xF7A, s1;
	s8 =	simm.s32 @!p0 $0x1BF5;
	p2 =	por !p2, p0  }
0x20: {  	[sflag:s8] =	ssyncset.s32 @!p0 $0xFFFFF086;
	s6 =	sadd.s32 @!p0 s3, s7;
	s7 =	simm.s32 @!p0 $0x108  }
0x21: {  	s3 =	sadd.s32 s3, s9;
	s6 =	sadd.s32 @!p0 $0x88, s6;
	s7 =	simm.s32 @p2 $0x1082  }
0x22: {  	[simem:s7], [sflag:s8] =	dma.local @!p0 [hbm:s6], $0xF7A  }
0x23: {  	s9 =	sor.u32 $0xD0000000, s2;
	s6 =	simm.s32 $0x108;
	_ =	swait.ge @!p0 [sflag:s8], $0x0  }
0x24: {  	s3 =	sadd.s32 $0x88, s3;
	s6 =	simm.s32 @!p1 $0x1082;
	[sflag:s4] =	ssyncset.s32 $0xFFFFF086  }
0x25: {  	[simem:s6], [sflag:s4] =	dma.local [hbm:s3], $0xF7A  }
0x26: {  	[smem:$0x3F9F] =	sst s1;
	(tag) =	ssettag s2;
	_ =	strace s9  }
0x27: {  	s1 =	sld [smem:$0x3FAF]  }
0x28: {  	s2 =	sld [smem:$0x3FB0]  }
0x29: {  	s4 =	sld [smem:$0x3FB2]  }
0x2a: {  	p0 =	seq.s32 s5, $0x0;
	s5 =	sld [smem:$0x3FB3]  }
0x2b: {  	s6 =	sld [smem:$0x3FB4]  }
0x2c: {  	s7 =	sld [smem:$0x3FB5]  }
0x2d: {  	s3 =	simm.s32 $0x108;
	s8 =	sld [smem:$0x3FB6]  }
0x2e: {  	s3 =	simm.s32 @!p0 $0x1082;
	s9 =	sld [smem:$0x3FB7]  }
0x2f: {  	lr =	sadd.s32 s0, s3;
	s0 =	sld [smem:$0x3FAE]  }
0x30: {  	s3 =	sld [smem:$0x3FB1]  }
0x31: {  	[smem:$0x3FBA] =	sst s10  }
0x32: {  	s10 =	sld [smem:$0x3FB8];
	_ =	sdelay $0x3  }
0x33: {  	p0 =	seq.s32 s10, $0x1;
	s10 =	sld [smem:$0x3FBA];
	_ =	sdelay $0x3  }
0x34: {  	[smem:$0x3FBA] =	sst s10  }
0x35: {  	s10 =	sld [smem:$0x3FB9];
	_ =	sdelay $0x3  }
0x36: {  	p1 =	seq.s32 s10, $0x1;
	s10 =	sld [smem:$0x3FBA];
	_ =	sdelay $0x3  }
0x37: {  	[smem:$0x3FBA] =	sst s10  }
0x38: {  	s10 =	sld [smem:$0x3FBB]  }
0x39: {  	_ = 	snop;
	(pc) =	sbr.ind lr, $3  }
0x3a: {  	_ = 	snop  }
0x3b: {  	_ = 	snop  }
0x3c: {  	p2 =	seq.s32 s10, $0x1;
	s10 =	sld [smem:$0x3FBA]  }
0x3d: {  	_ =	shalt  }
0x3e: {  	_ =	shalt  }
0x3f: {  	_ =	shalt  }
0x40: {  	_ =	shalt  }
0x41: {  	_ =	shalt  }
0x42: {  	_ =	shalt  }
0x43: {  	_ =	shalt  }
0x44: {  	_ =	shalt  }
0x45: {  	_ =	shalt  }
0x46: {  	_ =	shalt  }
0x47: {  	_ =	shalt  }
0x48: {  	_ =	shalt  }
0x49: {  	_ =	shalt  }
0x4a: {  	_ =	shalt  }
0x4b: {  	_ =	shalt  }
0x4c: {  	_ =	shalt  }
0x4d: {  	_ =	shalt  }
0x4e: {  	_ =	shalt  }
0x4f: {  	_ =	shalt  }
0x50: {  	_ =	shalt  }
0x51: {  	_ =	shalt  }
0x52: {  	_ =	shalt  }
0x53: {  	_ =	shalt  }
0x54: {  	_ =	shalt  }
0x55: {  	_ =	shalt  }
0x56: {  	_ =	shalt  }
0x57: {  	_ =	shalt  }
0x58: {  	_ =	shalt  }
0x59: {  	_ =	shalt  }
0x5a: {  	_ =	shalt  }
0x5b: {  	_ =	shalt  }
0x5c: {  	_ =	shalt  }
0x5d: {  	_ =	shalt  }
0x5e: {  	_ =	shalt  }
0x5f: {  	_ =	shalt  }
0x60: {  	_ =	shalt  }
0x61: {  	_ =	shalt  }
0x62: {  	_ =	shalt  }
0x63: {  	_ =	shalt  }
0x64: {  	_ =	shalt  }
0x65: {  	_ =	shalt  }
0x66: {  	_ =	shalt  }
0x67: {  	_ =	shalt  }
0x68: {  	_ =	shalt  }
0x69: {  	_ =	shalt  }
0x6a: {  	_ =	shalt  }
0x6b: {  	_ =	shalt  }
0x6c: {  	_ =	shalt  }
0x6d: {  	_ =	shalt  }
0x6e: {  	_ =	shalt  }
0x6f: {  	_ =	shalt  }
0x70: {  	_ =	shalt  }
0x71: {  	_ =	shalt  }
0x72: {  	_ =	shalt  }
0x73: {  	_ =	shalt  }
0x74: {  	_ =	shalt  }
0x75: {  	_ =	shalt  }
0x76: {  	_ =	shalt  }
0x77: {  	_ =	shalt  }
0x78: {  	_ =	shalt  }
0x79: {  	_ =	shalt  }
0x7a: {  	_ =	shalt  }
0x7b: {  	_ =	shalt  }
0x7c: {  	_ =	shalt  }
0x7d: {  	_ =	shalt  }
0x7e: {  	_ =	shalt  }
0x7f: {  	_ =	shalt  }
0x80: {  	_ =	shalt  }
0x81: {  	_ =	shalt  }
0x82: {  	_ =	shalt  }
0x83: {  	_ =	shalt  }
0x84: {  	_ =	shalt  }
0x85: {  	_ =	shalt  }
0x86: {  	_ =	shalt  }
0x87: {  	_ =	shalt  }
.Lfunc_end0:
.L_simem_size_0:
called_computation.1_lowered:
.L_overlay_start_0:
0x88: {  	s2 =	sld [smem:$0x3FD9]  }
0x89: {  	s3 =	sld [smem:$0x3FFE];
	_ =	sdelay $0x1  }
0x8a: {  	s1 =	srdreg.scid  }
0x8b: {  	s0 =	sand.u32 $0x1, s1  }
0x8c: {  	s17 =	sshll.u32 s0, $0xA;
	s2 =	sadd.s32 s3, s2  }
0x8d: {  	s2 =	sadd.s32 s2, s17  }
0x8e: {  	[smem:$0x3FC6] =	sst s2  }
0x8f: {  	_ = 	snop  }
0x90: {  	s2 =	sld [smem:$0x3FD0];
	(tm) =	ssettm $0x1  }
0x91: {  	s18 =	sld [smem:$0x3FFB];
	_ =	sdelay $0x3  }
0x92: {  	_ =	strace s18  }
0x93: {  	s3 =	sld [smem:$0x3FFC];
	_ =	sdelay $0x3  }
0x94: {  	_ =	strace s3  }
0x95: {  	s3 =	sld [smem:$0x3FFD];
	_ =	sdelay $0x3  }
0x96: {  	_ =	strace s3  }
0x97: {  	_ =	strace $0x8FFFFFFF  }
0x98: {  	s19 =	sld [smem:$0x3FDB];
	_ =	sdelay $0x1  }
0x99: {  	s4 =	simm.s32 $_scs_section_size  }
0x9a: {  	s5 =	simm.s32 $_size__tile_overlayer_lowered;
	s6 =	simm.s32 $_tile_overlayer_lowered  }
0x9b: {  	s22 =	simm.s32 $0x1BFF;
	s21 =	sshll.u32 s6, $0x1;
	s3 =	sadd.s32 s4, s19  }
0x9c: {  	s7 =	simm.s32 $0x0;
	s20 =	sshll.u32 s5, $0x1;
	s5 =	sadd.s32 s21, s3  }
0x9d: {  	[timem:s7], [sflag:s22] =	dma.local [hbm:s5], s20  }
0x9e: {  	_ =	swait.ge [sflag:s22], s20  }
0x9f: {  	s4 =	ssub.s32 $0x0, s20;
	[sflag:s22] =	ssyncset.done $0x0  }
0xa0: {  	[sflag:s22] =	ssyncadd.s32 s4;
	_ =	sdelay $0x1  }
0xa1: {  	s23 =	simm.s32 $0x1B8B  }
0xa2: {  	_ =	swait.ge [sflag:s23], $0x1  }
0xa3: {  	[sflag:s23] =	ssyncset.done $0x0  }
0xa4: {  	s25 =	simm.s32 $0x1B8E;
	s24 =	sld [smem:$0x3FFE];
	[sflag:s23] =	ssyncadd.s32 $0xFFFFFFFF  }
0xa5: {  	s26 =	simm.s32 $execute0_lowered;
	[smem:$0x3FD2] =	sst s25  }
0xa6: {  	s5 =	sshll.u32 s26, $0x1;
	_ =	strace $0x80000046;
	[dreg:$0x1] =	wrdreg $0xFFFFFFFF  }
0xa7: {  	s28 =	simm.s32 $_size_execute0_lowered;
	s3 =	sadd.s32 s3, s5;
	[dreg:$0x0] =	wrdreg $0x0  }
0xa8: {  	s5 =	sshll.u32 s28, $0x1;
	[dreg:$0x2] =	wrdreg s3  }
0xa9: {  	[dreg:$0x3] =	wrdreg s5  }
0xaa: {  	[dreg:$0x4] =	wrdreg $0xC0  }
0xab: {  	_ =	task [dreg:s7], $0x5FFFF  }
0xac: {  	[dreg:$0x1] =	wrdreg $0xFFFFFFFF  }
0xad: {  	[dreg:$0x0] =	wrdreg $0x60  }
0xae: {  	[dreg:$0x2] =	wrdreg s24  }
0xaf: {  	[dreg:$0x3] =	wrdreg s2  }
0xb0: {  	[dreg:$0x4] =	wrdreg $0x9  }
0xb1: {  	_ =	task.clear_ibuf [dreg:s7], $0x5FFFF;
	_ =	strace $0x90000046  }
0xb2: {  	s29 =	simm.s32 $0x9;
	_ =	strace $0x80000048  }
0xb3: {  	_ =	swait.ge [sflag:s29], $0x1  }
0xb4: {  	[sflag:s29] =	ssyncadd.s32 $0xFFFFFFFF  }
0xb5: {  	_ =	strace $0x90000048  }
0xb6: {  	_ =	sfence  }
0xb7: {  	s30 =	sld [smem:$0x0];
	_ =	sdelay $0x2  }
0xb8: {  	s31 =	sshll.u32 s1, $0xD;
	s1 =	sshrl.u32 s1, $0x2  }
0xb9: {  	s3 =	sand.u32 $0x4000, s31;
	s1 =	sadd.s32 s1, s30  }
0xba: {  	s0 =	sor.u32 s3, s0;
	s1 =	sshll.u32 s1, $0x11  }
0xbb: {  	s0 =	sor.u32 s1, s0  }
0xbc: {  	s0 =	sadd.s32 $0x8F2B, s0  }
0xbd: {  	[sflag:s0] =	ssyncadd.remote.s32 $0x1  }
0xbe: {  	_ =	sfence.sel $0xFFFF  }
0xbf: {  	[dreg:$0x0] =	wrdreg $0xFFFFFFFF;
	(pc) =	sbr.abs _section_cstart, $3  }
0xc0: {  	[dreg:$0x1] =	wrdreg $0xFFFFFFFF  }
0xc1: {  	_ =	task.clear_ibuf [dreg:s7], $0x2FFFF;
	_ =	strace $0x9FFFFFFF  }
0xc2: {  	(tm) =	ssettm $0x7FFFFFFF  }
0xc3: {  	_ =	shalt  }
tec
execute0_lowered:
.L_overlay_start_1:
0x0: {  	(tag) =	ssettag $0x1  }
0x1: {  	s5 =	rddreg [dreg:$0x0]  }
0x2: {  	s1 =	srdreg.scid;
	s0 =	stileid.u32  }
0x3: {  	s2 =	rddreg [dreg:$0x1];
	s3 =	simm.s32 $0x0;
	s10 =	simm.s32 $0x80  }
0x4: {  	s11 =	simm.s32 $0x6400;
	s12 =	simm.s32 $0x8400;
	s13 =	simm.s32 $0x1  }
0x5: {  	s14 =	simm.s32 $0xA400;
	s15 =	simm.s32 $0x2;
	s16 =	simm.s32 $0xC400  }
0x6: {  	s17 =	simm.s32 $0x3;
	s18 =	simm.s32 $0x5;
	s19 =	simm.s32 $0x4  }
0x7: {  	s20 =	simm.s32 $0x6;
	s21 =	simm.s32 $0x7;
	s22 =	simm.s32 $0x8  }
0x8: {  	s23 =	simm.s32 $0x0;
	s4 =	sand.u32 $0x1, s1;
	s6 =	sshll.u32 s0, $0x1  }
0x9: {  	s1 =	rddreg [dreg:$0x2];
	s6 =	sor.u32 s4, s6;
	s8 =	ssub.s32 $0x2, s4  }
0xa: {  	[smem:$0x7FF] =	sst s3;
	s7 =	smul.u32 $0xC80, s6;
	s9 =	sshrl.u32 s8, $0x1  }
0xb: {  	_ =	strace $0x80000047;
	s4 =	smul.u32 $0xC8, s6;
	s8 =	ssub.s32 s8, s9  }
0xc: {  	s9 =	simm.s32 $0x9;
	s31 =	sadd.s32 s7, s5;
	s5 =	sadd.s32 $0xF42E00, s5  }
0xd: {  	s7 =	sor.u32 $0x1, s4;
	s8 =	smax.u32 s8, $0x1;
	s6 =	sadd.s32 $0xA00, s31  }
.LBB2_1:
0xe: {  	[tilespmem:s3], [sflag:$0x9] =	stream.linear.gather [hbm4b:s6+s3], $0x6400, $0x38;
	[tilespmem:$0xE400] =	vst v63  }
0xf: {  	_ =	swait.ge [sflag:s9], $0x6400  }
0x10: {  	[sflag:s9] =	ssyncset.done $0x0  }
0x11: {  	[sflag:s9] =	ssyncadd.s32 $0xFFFF9C00  }
0x12: {  	[tilespmem:s11], [sflag:$0x1] =	stream.indirect.gather [hbm4b:s5+s10], $0x40, s3, s10, $0xb8;
	[tilespmem:$0xE400] =	vst v63  }
0x13: {  	s24 =	simm.s32 $0x0  }
0x14: {  	[tilespmem:s12], [sflag:$0x2] =	stream.indirect.gather [hbm4b:s5+s10], $0x40, s10, s10, $0xb8;
	[tilespmem:$0xE400] =	vst v63  }
.LBB2_2:
0x15: {  	_ =	swait.ge [sflag:s13], $0x2000  }
0x16: {  	p0 =	seq.s32 s24, $0x0;
	[sflag:s13] =	ssyncset.done $0x0  }
0x17: {  	s28 =	sshll.u32 s24, $0x2;
	s26 =	simm.s32 @!p0 $0x7;
	[sflag:s13] =	ssyncadd.s32 $0xFFFFE000  }
0x18: {  	s25 =	sor.u32 $0x2, s28;
	_ =	swait.ge @!p0 [sflag:s26], $0x2000  }
0x19: {  	s29 =	sshll.u32 s25, $0x7;
	[sflag:s26] =	ssyncset.done @!p0 $0x0  }
0x1a: {  	s31 =	sand.u32 $0x3FFFFF80, s29;
	[sflag:s26] =	ssyncadd.s32 @!p0 $0xFFFFE000;
	s26 =	simm.s32 $0x6500  }
0x1b: {  	[tilespmem:s14], [sflag:$0x3] =	stream.indirect.gather [hbm4b:s5+s10], $0x40, s31, s10, $0xb8;
	[tilespmem:$0xE400] =	vst v63  }
0x1c: {  	v0 =	vld [tilespmem:s26+$0xF0]  }
0x1d: {  	v1 =	vld [tilespmem:s26+$0xFFFFFF10]  }
0x1e: {  	v2 =	vld [tilespmem:s26+$0xFFFFFF20]  }
0x1f: {  	v3 =	vld [tilespmem:s26+$0xFFFFFF30]  }
0x20: {  	v4 =	vld [tilespmem:s26+$0xFFFFFF40]  }
0x21: {  	v5 =	vld [tilespmem:s26+$0xFFFFFF50];
	v0 =	vmul.f32 $8.000000000e+00, v0  }
0x22: {  	v6 =	vld [tilespmem:s26+$0xFFFFFF60];
	v1 =	vmul.f32 $8.000000000e+00, v1  }
0x23: {  	v7 =	vld [tilespmem:s26+$0xFFFFFF70];
	v2 =	vmul.f32 $8.000000000e+00, v2;
	[tilespmem:s26+$0xF0] =	vst v0  }
0x24: {  	[tilespmem:s26+$0xFFFFFF10] =	vst v1;
	v0 =	vmul.f32 $8.000000000e+00, v3;
	v1 =	vld [tilespmem:s26+$0xFFFFFF80]  }
0x25: {  	[tilespmem:s26+$0xFFFFFF20] =	vst v2;
	v2 =	vmul.f32 $8.000000000e+00, v4;
	v3 =	vld [tilespmem:s26+$0xFFFFFF90]  }
0x26: {  	v4 =	vld [tilespmem:s26+$0xFFFFFFA0];
	[tilespmem:s26+$0xFFFFFF30] =	vst v0;
	v0 =	vmul.f32 $8.000000000e+00, v5  }
0x27: {  	[tilespmem:s26+$0xFFFFFF40] =	vst v2;
	v2 =	vmul.f32 $8.000000000e+00, v6;
	v5 =	vld [tilespmem:s26+$0xFFFFFFB0]  }
0x28: {  	v6 =	vld [tilespmem:s26+$0xFFFFFFC0];
	[tilespmem:s26+$0xFFFFFF50] =	vst v0;
	v0 =	vmul.f32 $8.000000000e+00, v7  }
0x29: {  	[tilespmem:s26+$0xFFFFFF60] =	vst v2;
	v2 =	vld [tilespmem:s26+$0xFFFFFFD0];
	v1 =	vmul.f32 $8.000000000e+00, v1  }
0x2a: {  	[tilespmem:s26+$0xFFFFFF70] =	vst v0;
	v0 =	vmul.f32 $8.000000000e+00, v3;
	v3 =	vld [tilespmem:s26+$0xFFFFFFE0]  }
0x2b: {  	[tilespmem:s26+$0xFFFFFF80] =	vst v1;
	v1 =	vmul.f32 $8.000000000e+00, v4;
	v4 =	vld [tilespmem:s26+$0xFFFFFFF0]  }
0x2c: {  	[tilespmem:s26+$0xFFFFFF90] =	vst v0;
	v0 =	vmul.f32 $8.000000000e+00, v5;
	v5 =	vld [tilespmem:s26+$0x0]  }
0x2d: {  	[tilespmem:s26+$0xFFFFFFA0] =	vst v1;
	v1 =	vmul.f32 $8.000000000e+00, v6;
	v6 =	vld [tilespmem:s26+$0x10]  }
0x2e: {  	[tilespmem:s26+$0xFFFFFFB0] =	vst v0;
	v0 =	vmul.f32 $8.000000000e+00, v2;
	v2 =	vld [tilespmem:s26+$0x20]  }
0x2f: {  	[tilespmem:s26+$0xFFFFFFC0] =	vst v1;
	v1 =	vmul.f32 $8.000000000e+00, v3;
	v3 =	vld [tilespmem:s26+$0x30]  }
0x30: {  	[tilespmem:s26+$0xFFFFFFD0] =	vst v0;
	v0 =	vmul.f32 $8.000000000e+00, v4;
	v4 =	vld [tilespmem:s26+$0x40]  }
0x31: {  	[tilespmem:s26+$0xFFFFFFE0] =	vst v1;
	v1 =	vmul.f32 $8.000000000e+00, v5;
	v5 =	vld [tilespmem:s26+$0x50]  }
0x32: {  	[tilespmem:s26+$0xFFFFFFF0] =	vst v0;
	v0 =	vmul.f32 $8.000000000e+00, v6;
	v6 =	vld [tilespmem:s26+$0x60]  }
0x33: {  	[tilespmem:s26+$0x0] =	vst v1;
	v1 =	vmul.f32 $8.000000000e+00, v2;
	v2 =	vld [tilespmem:s26+$0x70]  }
0x34: {  	[tilespmem:s26+$0x10] =	vst v0;
	v0 =	vmul.f32 $8.000000000e+00, v3;
	v3 =	vld [tilespmem:s26+$0x80]  }
0x35: {  	[tilespmem:s26+$0x20] =	vst v1;
	v1 =	vmul.f32 $8.000000000e+00, v4;
	v4 =	vld [tilespmem:s26+$0x90]  }
0x36: {  	v7 =	vld [tilespmem:s26+$0xA0];
	[tilespmem:s26+$0x30] =	vst v0;
	v5 =	vmul.f32 $8.000000000e+00, v5  }
0x37: {  	v0 =	vld [tilespmem:s26+$0xB0];
	[tilespmem:s26+$0x40] =	vst v1;
	v6 =	vmul.f32 $8.000000000e+00, v6  }
0x38: {  	v1 =	vld [tilespmem:s26+$0xC0];
	[tilespmem:s26+$0x50] =	vst v5;
	v5 =	vmul.f32 $8.000000000e+00, v2  }
0x39: {  	v2 =	vld [tilespmem:s26+$0xD0];
	[tilespmem:s26+$0x60] =	vst v6;
	v6 =	vmul.f32 $8.000000000e+00, v3  }
0x3a: {  	v3 =	vld [tilespmem:s26+$0xE0];
	[tilespmem:s26+$0x70] =	vst v5;
	v5 =	vmul.f32 $8.000000000e+00, v4  }
0x3b: {  	s30 =	simm.s32 $0x6700;
	s29 =	simm.s32 $0x0;
	v4 =	vld [tilespmem:s26+$0xFFFFFF00];
	[tilespmem:s26+$0x80] =	vst v6;
	v6 =	vmul.f32 $8.000000000e+00, v7  }
.LBB2_3:
0x3c: {  	v7 =	vld [tilespmem:s30+$0xF0];
	s29 =	sadd.s32 $0x8, s29;
	[tilespmem:s26+$0x90] =	vst v5;
	v0 =	vmul.f32 $8.000000000e+00, v0  }
0x3d: {  	v5 =	vld [tilespmem:s30+$0xFFFFFF10];
	p1 =	slt.u32 s29, $0x78;
	[tilespmem:s26+$0xA0] =	vst v6;
	v1 =	vmul.f32 $8.000000000e+00, v1  }
0x3e: {  	v6 =	vld [tilespmem:s30+$0xFFFFFF20];
	[tilespmem:s26+$0xB0] =	vst v0;
	v0 =	vmul.f32 $8.000000000e+00, v2  }
0x3f: {  	v2 =	vld [tilespmem:s30+$0xFFFFFF30];
	[tilespmem:s26+$0xC0] =	vst v1;
	v1 =	vmul.f32 $8.000000000e+00, v3  }
0x40: {  	v3 =	vld [tilespmem:s30+$0xFFFFFF40];
	v4 =	vmul.f32 $8.000000000e+00, v4;
	[tilespmem:s26+$0xD0] =	vst v0  }
0x41: {  	v0 =	vld [tilespmem:s30+$0xFFFFFF50];
	v7 =	vmul.f32 $8.000000000e+00, v7;
	[tilespmem:s26+$0xE0] =	vst v1  }
0x42: {  	v1 =	vmul.f32 $8.000000000e+00, v5;
	v5 =	vld [tilespmem:s30+$0xFFFFFF60];
	[tilespmem:s26+$0xFFFFFF00] =	vst v4;
	s26 =	smov.u32 s30  }
0x43: {  	v4 =	vmul.f32 $8.000000000e+00, v6;
	v6 =	vld [tilespmem:s30+$0xFFFFFF70];
	[tilespmem:s30+$0xF0] =	vst v7  }
0x44: {  	[tilespmem:s30+$0xFFFFFF10] =	vst v1;
	v1 =	vmul.f32 $8.000000000e+00, v2;
	v2 =	vld [tilespmem:s30+$0xFFFFFF80]  }
0x45: {  	[tilespmem:s30+$0xFFFFFF20] =	vst v4;
	v3 =	vmul.f32 $8.000000000e+00, v3;
	v4 =	vld [tilespmem:s30+$0xFFFFFF90]  }
0x46: {  	[tilespmem:s30+$0xFFFFFF30] =	vst v1;
	v0 =	vmul.f32 $8.000000000e+00, v0;
	v1 =	vld [tilespmem:s30+$0xFFFFFFA0]  }
0x47: {  	[tilespmem:s30+$0xFFFFFF40] =	vst v3;
	v3 =	vmul.f32 $8.000000000e+00, v5;
	v5 =	vld [tilespmem:s30+$0xFFFFFFB0]  }
0x48: {  	[tilespmem:s30+$0xFFFFFF50] =	vst v0;
	v0 =	vmul.f32 $8.000000000e+00, v6;
	v6 =	vld [tilespmem:s30+$0xFFFFFFC0]  }
0x49: {  	[tilespmem:s30+$0xFFFFFF60] =	vst v3;
	v2 =	vmul.f32 $8.000000000e+00, v2;
	v3 =	vld [tilespmem:s30+$0xFFFFFFD0]  }
0x4a: {  	[tilespmem:s30+$0xFFFFFF70] =	vst v0;
	v0 =	vmul.f32 $8.000000000e+00, v4;
	v4 =	vld [tilespmem:s30+$0xFFFFFFE0]  }
0x4b: {  	[tilespmem:s30+$0xFFFFFF80] =	vst v2;
	v1 =	vmul.f32 $8.000000000e+00, v1;
	v2 =	vld [tilespmem:s30+$0xFFFFFFF0]  }
0x4c: {  	[tilespmem:s30+$0xFFFFFF90] =	vst v0;
	v0 =	vmul.f32 $8.000000000e+00, v5;
	v5 =	vld [tilespmem:s30+$0x0]  }
0x4d: {  	[tilespmem:s30+$0xFFFFFFA0] =	vst v1;
	v1 =	vmul.f32 $8.000000000e+00, v6;
	v6 =	vld [tilespmem:s30+$0x10]  }
0x4e: {  	[tilespmem:s30+$0xFFFFFFB0] =	vst v0;
	v0 =	vmul.f32 $8.000000000e+00, v3;
	v3 =	vld [tilespmem:s30+$0x20]  }
0x4f: {  	[tilespmem:s30+$0xFFFFFFC0] =	vst v1;
	v1 =	vmul.f32 $8.000000000e+00, v4;
	v4 =	vld [tilespmem:s30+$0x30]  }
0x50: {  	[tilespmem:s30+$0xFFFFFFD0] =	vst v0;
	v0 =	vmul.f32 $8.000000000e+00, v2;
	v2 =	vld [tilespmem:s30+$0x40]  }
0x51: {  	[tilespmem:s30+$0xFFFFFFE0] =	vst v1;
	v1 =	vmul.f32 $8.000000000e+00, v5;
	v5 =	vld [tilespmem:s30+$0x50]  }
0x52: {  	[tilespmem:s30+$0xFFFFFFF0] =	vst v0;
	v0 =	vmul.f32 $8.000000000e+00, v6;
	v6 =	vld [tilespmem:s30+$0x60]  }
0x53: {  	[tilespmem:s30+$0x0] =	vst v1;
	v1 =	vmul.f32 $8.000000000e+00, v3;
	v3 =	vld [tilespmem:s30+$0x70]  }
0x54: {  	[tilespmem:s30+$0x10] =	vst v0;
	v0 =	vmul.f32 $8.000000000e+00, v4;
	v4 =	vld [tilespmem:s30+$0x80]  }
0x55: {  	[tilespmem:s30+$0x20] =	vst v1;
	v1 =	vmul.f32 $8.000000000e+00, v2;
	v7 =	vld [tilespmem:s30+$0x90]  }
0x56: {  	[tilespmem:s30+$0x30] =	vst v0;
	v2 =	vmul.f32 $8.000000000e+00, v5;
	v8 =	vld [tilespmem:s30+$0xA0]  }
.Ltmp0:
0x57: {  	[tilespmem:s30+$0x40] =	vst v1;
	v5 =	vmul.f32 $8.000000000e+00, v6;
	v0 =	vld [tilespmem:s30+$0xB0];
	(pc) =	sbr.rel @p1 .LBB2_3-.Ltmp0, $4  }
0x58: {  	[tilespmem:s30+$0x50] =	vst v2;
	v3 =	vmul.f32 $8.000000000e+00, v3;
	v1 =	vld [tilespmem:s30+$0xC0]  }
0x59: {  	[tilespmem:s30+$0x60] =	vst v5;
	v6 =	vmul.f32 $8.000000000e+00, v4;
	v2 =	vld [tilespmem:s30+$0xD0]  }
0x5a: {  	[tilespmem:s30+$0x70] =	vst v3;
	v5 =	vmul.f32 $8.000000000e+00, v7;
	v3 =	vld [tilespmem:s30+$0xE0]  }
0x5b: {  	s30 =	sadd.s32 $0x200, s30;
	v4 =	vld [tilespmem:s26+$0xFFFFFF00];
	[tilespmem:s26+$0x80] =	vst v6;
	v6 =	vmul.f32 $8.000000000e+00, v8  }
0x5c: {  	[tilespmem:s26+$0x90] =	vst v5;
	v0 =	vmul.f32 $8.000000000e+00, v0  }
0x5d: {  	[tilespmem:s26+$0xA0] =	vst v6;
	v1 =	vmul.f32 $8.000000000e+00, v1  }
0x5e: {  	[tilespmem:s26+$0xB0] =	vst v0;
	v0 =	vmul.f32 $8.000000000e+00, v2  }
0x5f: {  	[tilespmem:s26+$0xC0] =	vst v1;
	v1 =	vmul.f32 $8.000000000e+00, v3  }
0x60: {  	s29 =	sadd.s32 s4, s28;
	v2 =	vmul.f32 $8.000000000e+00, v4;
	[tilespmem:s26+$0xD0] =	vst v0  }
0x61: {  	s29 =	sshll.u32 s29, $0xA;
	[tilespmem:s26+$0xE0] =	vst v1  }
0x62: {  	[tilespmem:s26+$0xFFFFFF00] =	vst v2;
	s26 =	sadd.s32 s2, s29  }
0x63: {  	[hbm4b:s26+s3] =	stream.linear.scatter [tilespmem:s11], [sflag:$0x5], $0x2000, $0x38;
	[tilespmem:$0xE400] =	vst v63  }
0x64: {  	_ =	swait.ge [sflag:s15], $0x2000  }
0x65: {  	[sflag:s15] =	ssyncset.done $0x0  }
0x66: {  	s29 =	simm.s32 @!p0 $0x8;
	[sflag:s15] =	ssyncadd.s32 $0xFFFFE000  }
0x67: {  	s26 =	sor.u32 $0x3, s28;
	_ =	swait.ge @!p0 [sflag:s29], $0x2000  }
0x68: {  	s30 =	sshll.u32 s26, $0x7;
	[sflag:s29] =	ssyncset.done @!p0 $0x0  }
0x69: {  	[sflag:s29] =	ssyncadd.s32 @!p0 $0xFFFFE000;
	s29 =	sand.u32 $0x3FFFFF80, s30  }
0x6a: {  	[tilespmem:s16], [sflag:$0x4] =	stream.indirect.gather [hbm4b:s5+s10], $0x40, s29, s10, $0xb8;
	[tilespmem:$0xE400] =	vst v63  }
0x6b: {  	s29 =	simm.s32 $0x8500  }
0x6c: {  	v0 =	vld [tilespmem:s29+$0xF0]  }
0x6d: {  	v1 =	vld [tilespmem:s29+$0xFFFFFF10]  }
0x6e: {  	v2 =	vld [tilespmem:s29+$0xFFFFFF20]  }
0x6f: {  	v3 =	vld [tilespmem:s29+$0xFFFFFF30]  }
0x70: {  	v4 =	vld [tilespmem:s29+$0xFFFFFF40]  }
0x71: {  	v5 =	vld [tilespmem:s29+$0xFFFFFF50];
	v0 =	vmul.f32 $8.000000000e+00, v0  }
0x72: {  	v6 =	vld [tilespmem:s29+$0xFFFFFF60];
	v1 =	vmul.f32 $8.000000000e+00, v1  }
0x73: {  	v7 =	vld [tilespmem:s29+$0xFFFFFF70];
	v2 =	vmul.f32 $8.000000000e+00, v2;
	[tilespmem:s29+$0xF0] =	vst v0  }
0x74: {  	[tilespmem:s29+$0xFFFFFF10] =	vst v1;
	v0 =	vmul.f32 $8.000000000e+00, v3;
	v1 =	vld [tilespmem:s29+$0xFFFFFF80]  }
0x75: {  	[tilespmem:s29+$0xFFFFFF20] =	vst v2;
	v2 =	vmul.f32 $8.000000000e+00, v4;
	v3 =	vld [tilespmem:s29+$0xFFFFFF90]  }
0x76: {  	v4 =	vld [tilespmem:s29+$0xFFFFFFA0];
	[tilespmem:s29+$0xFFFFFF30] =	vst v0;
	v0 =	vmul.f32 $8.000000000e+00, v5  }
0x77: {  	[tilespmem:s29+$0xFFFFFF40] =	vst v2;
	v2 =	vmul.f32 $8.000000000e+00, v6;
	v5 =	vld [tilespmem:s29+$0xFFFFFFB0]  }
0x78: {  	v6 =	vld [tilespmem:s29+$0xFFFFFFC0];
	[tilespmem:s29+$0xFFFFFF50] =	vst v0;
	v0 =	vmul.f32 $8.000000000e+00, v7  }
0x79: {  	[tilespmem:s29+$0xFFFFFF60] =	vst v2;
	v2 =	vld [tilespmem:s29+$0xFFFFFFD0];
	v1 =	vmul.f32 $8.000000000e+00, v1  }
0x7a: {  	[tilespmem:s29+$0xFFFFFF70] =	vst v0;
	v0 =	vmul.f32 $8.000000000e+00, v3;
	v3 =	vld [tilespmem:s29+$0xFFFFFFE0]  }
0x7b: {  	[tilespmem:s29+$0xFFFFFF80] =	vst v1;
	v1 =	vmul.f32 $8.000000000e+00, v4;
	v4 =	vld [tilespmem:s29+$0xFFFFFFF0]  }
0x7c: {  	[tilespmem:s29+$0xFFFFFF90] =	vst v0;
	v0 =	vmul.f32 $8.000000000e+00, v5;
	v5 =	vld [tilespmem:s29+$0x0]  }
0x7d: {  	[tilespmem:s29+$0xFFFFFFA0] =	vst v1;
	v1 =	vmul.f32 $8.000000000e+00, v6;
	v6 =	vld [tilespmem:s29+$0x10]  }
0x7e: {  	[tilespmem:s29+$0xFFFFFFB0] =	vst v0;
	v0 =	vmul.f32 $8.000000000e+00, v2;
	v2 =	vld [tilespmem:s29+$0x20]  }
0x7f: {  	[tilespmem:s29+$0xFFFFFFC0] =	vst v1;
	v1 =	vmul.f32 $8.000000000e+00, v3;
	v3 =	vld [tilespmem:s29+$0x30]  }
0x80: {  	[tilespmem:s29+$0xFFFFFFD0] =	vst v0;
	v0 =	vmul.f32 $8.000000000e+00, v4;
	v4 =	vld [tilespmem:s29+$0x40]  }
0x81: {  	[tilespmem:s29+$0xFFFFFFE0] =	vst v1;
	v1 =	vmul.f32 $8.000000000e+00, v5;
	v5 =	vld [tilespmem:s29+$0x50]  }
0x82: {  	[tilespmem:s29+$0xFFFFFFF0] =	vst v0;
	v0 =	vmul.f32 $8.000000000e+00, v6;
	v6 =	vld [tilespmem:s29+$0x60]  }
0x83: {  	[tilespmem:s29+$0x0] =	vst v1;
	v1 =	vmul.f32 $8.000000000e+00, v2;
	v2 =	vld [tilespmem:s29+$0x70]  }
0x84: {  	[tilespmem:s29+$0x10] =	vst v0;
	v0 =	vmul.f32 $8.000000000e+00, v3;
	v3 =	vld [tilespmem:s29+$0x80]  }
0x85: {  	[tilespmem:s29+$0x20] =	vst v1;
	v1 =	vmul.f32 $8.000000000e+00, v4;
	v4 =	vld [tilespmem:s29+$0x90]  }
0x86: {  	v7 =	vld [tilespmem:s29+$0xA0];
	[tilespmem:s29+$0x30] =	vst v0;
	v5 =	vmul.f32 $8.000000000e+00, v5  }
0x87: {  	v0 =	vld [tilespmem:s29+$0xB0];
	[tilespmem:s29+$0x40] =	vst v1;
	v6 =	vmul.f32 $8.000000000e+00, v6  }
0x88: {  	v1 =	vld [tilespmem:s29+$0xC0];
	[tilespmem:s29+$0x50] =	vst v5;
	v5 =	vmul.f32 $8.000000000e+00, v2  }
0x89: {  	v2 =	vld [tilespmem:s29+$0xD0];
	[tilespmem:s29+$0x60] =	vst v6;
	v6 =	vmul.f32 $8.000000000e+00, v3  }
0x8a: {  	v3 =	vld [tilespmem:s29+$0xE0];
	[tilespmem:s29+$0x70] =	vst v5;
	v5 =	vmul.f32 $8.000000000e+00, v4  }
0x8b: {  	s31 =	simm.s32 $0x8700;
	s30 =	simm.s32 $0x0;
	v4 =	vld [tilespmem:s29+$0xFFFFFF00];
	[tilespmem:s29+$0x80] =	vst v6;
	v6 =	vmul.f32 $8.000000000e+00, v7  }
.LBB2_5:
0x8c: {  	v7 =	vld [tilespmem:s31+$0xF0];
	s30 =	sadd.s32 $0x8, s30;
	[tilespmem:s29+$0x90] =	vst v5;
	v0 =	vmul.f32 $8.000000000e+00, v0  }
0x8d: {  	v5 =	vld [tilespmem:s31+$0xFFFFFF10];
	p0 =	slt.u32 s30, $0x78;
	[tilespmem:s29+$0xA0] =	vst v6;
	v1 =	vmul.f32 $8.000000000e+00, v1  }
0x8e: {  	v6 =	vld [tilespmem:s31+$0xFFFFFF20];
	[tilespmem:s29+$0xB0] =	vst v0;
	v0 =	vmul.f32 $8.000000000e+00, v2  }
0x8f: {  	v2 =	vld [tilespmem:s31+$0xFFFFFF30];
	[tilespmem:s29+$0xC0] =	vst v1;
	v1 =	vmul.f32 $8.000000000e+00, v3  }
0x90: {  	v3 =	vld [tilespmem:s31+$0xFFFFFF40];
	v4 =	vmul.f32 $8.000000000e+00, v4;
	[tilespmem:s29+$0xD0] =	vst v0  }
0x91: {  	v0 =	vld [tilespmem:s31+$0xFFFFFF50];
	v7 =	vmul.f32 $8.000000000e+00, v7;
	[tilespmem:s29+$0xE0] =	vst v1  }
0x92: {  	v1 =	vmul.f32 $8.000000000e+00, v5;
	v5 =	vld [tilespmem:s31+$0xFFFFFF60];
	[tilespmem:s29+$0xFFFFFF00] =	vst v4;
	s29 =	smov.u32 s31  }
0x93: {  	v4 =	vmul.f32 $8.000000000e+00, v6;
	v6 =	vld [tilespmem:s31+$0xFFFFFF70];
	[tilespmem:s31+$0xF0] =	vst v7  }
0x94: {  	[tilespmem:s31+$0xFFFFFF10] =	vst v1;
	v1 =	vmul.f32 $8.000000000e+00, v2;
	v2 =	vld [tilespmem:s31+$0xFFFFFF80]  }
0x95: {  	[tilespmem:s31+$0xFFFFFF20] =	vst v4;
	v3 =	vmul.f32 $8.000000000e+00, v3;
	v4 =	vld [tilespmem:s31+$0xFFFFFF90]  }
0x96: {  	[tilespmem:s31+$0xFFFFFF30] =	vst v1;
	v0 =	vmul.f32 $8.000000000e+00, v0;
	v1 =	vld [tilespmem:s31+$0xFFFFFFA0]  }
0x97: {  	[tilespmem:s31+$0xFFFFFF40] =	vst v3;
	v3 =	vmul.f32 $8.000000000e+00, v5;
	v5 =	vld [tilespmem:s31+$0xFFFFFFB0]  }
0x98: {  	[tilespmem:s31+$0xFFFFFF50] =	vst v0;
	v0 =	vmul.f32 $8.000000000e+00, v6;
	v6 =	vld [tilespmem:s31+$0xFFFFFFC0]  }
0x99: {  	[tilespmem:s31+$0xFFFFFF60] =	vst v3;
	v2 =	vmul.f32 $8.000000000e+00, v2;
	v3 =	vld [tilespmem:s31+$0xFFFFFFD0]  }
0x9a: {  	[tilespmem:s31+$0xFFFFFF70] =	vst v0;
	v0 =	vmul.f32 $8.000000000e+00, v4;
	v4 =	vld [tilespmem:s31+$0xFFFFFFE0]  }
0x9b: {  	[tilespmem:s31+$0xFFFFFF80] =	vst v2;
	v1 =	vmul.f32 $8.000000000e+00, v1;
	v2 =	vld [tilespmem:s31+$0xFFFFFFF0]  }
0x9c: {  	[tilespmem:s31+$0xFFFFFF90] =	vst v0;
	v0 =	vmul.f32 $8.000000000e+00, v5;
	v5 =	vld [tilespmem:s31+$0x0]  }
0x9d: {  	[tilespmem:s31+$0xFFFFFFA0] =	vst v1;
	v1 =	vmul.f32 $8.000000000e+00, v6;
	v6 =	vld [tilespmem:s31+$0x10]  }
0x9e: {  	[tilespmem:s31+$0xFFFFFFB0] =	vst v0;
	v0 =	vmul.f32 $8.000000000e+00, v3;
	v3 =	vld [tilespmem:s31+$0x20]  }
0x9f: {  	[tilespmem:s31+$0xFFFFFFC0] =	vst v1;
	v1 =	vmul.f32 $8.000000000e+00, v4;
	v4 =	vld [tilespmem:s31+$0x30]  }
0xa0: {  	[tilespmem:s31+$0xFFFFFFD0] =	vst v0;
	v0 =	vmul.f32 $8.000000000e+00, v2;
	v2 =	vld [tilespmem:s31+$0x40]  }
0xa1: {  	[tilespmem:s31+$0xFFFFFFE0] =	vst v1;
	v1 =	vmul.f32 $8.000000000e+00, v5;
	v5 =	vld [tilespmem:s31+$0x50]  }
0xa2: {  	[tilespmem:s31+$0xFFFFFFF0] =	vst v0;
	v0 =	vmul.f32 $8.000000000e+00, v6;
	v6 =	vld [tilespmem:s31+$0x60]  }
0xa3: {  	[tilespmem:s31+$0x0] =	vst v1;
	v1 =	vmul.f32 $8.000000000e+00, v3;
	v3 =	vld [tilespmem:s31+$0x70]  }
0xa4: {  	[tilespmem:s31+$0x10] =	vst v0;
	v0 =	vmul.f32 $8.000000000e+00, v4;
	v4 =	vld [tilespmem:s31+$0x80]  }
0xa5: {  	[tilespmem:s31+$0x20] =	vst v1;
	v1 =	vmul.f32 $8.000000000e+00, v2;
	v7 =	vld [tilespmem:s31+$0x90]  }
0xa6: {  	[tilespmem:s31+$0x30] =	vst v0;
	v2 =	vmul.f32 $8.000000000e+00, v5;
	v8 =	vld [tilespmem:s31+$0xA0]  }
.Ltmp1:
0xa7: {  	[tilespmem:s31+$0x40] =	vst v1;
	v5 =	vmul.f32 $8.000000000e+00, v6;
	v0 =	vld [tilespmem:s31+$0xB0];
	(pc) =	sbr.rel @p0 .LBB2_5-.Ltmp1, $4  }
0xa8: {  	[tilespmem:s31+$0x50] =	vst v2;
	v3 =	vmul.f32 $8.000000000e+00, v3;
	v1 =	vld [tilespmem:s31+$0xC0]  }
0xa9: {  	[tilespmem:s31+$0x60] =	vst v5;
	v6 =	vmul.f32 $8.000000000e+00, v4;
	v2 =	vld [tilespmem:s31+$0xD0]  }
0xaa: {  	[tilespmem:s31+$0x70] =	vst v3;
	v5 =	vmul.f32 $8.000000000e+00, v7;
	v3 =	vld [tilespmem:s31+$0xE0]  }
0xab: {  	s31 =	sadd.s32 $0x200, s31;
	v4 =	vld [tilespmem:s29+$0xFFFFFF00];
	[tilespmem:s29+$0x80] =	vst v6;
	v6 =	vmul.f32 $8.000000000e+00, v8  }
0xac: {  	[tilespmem:s29+$0x90] =	vst v5;
	v0 =	vmul.f32 $8.000000000e+00, v0  }
0xad: {  	[tilespmem:s29+$0xA0] =	vst v6;
	v1 =	vmul.f32 $8.000000000e+00, v1  }
0xae: {  	[tilespmem:s29+$0xB0] =	vst v0;
	v0 =	vmul.f32 $8.000000000e+00, v2  }
0xaf: {  	s28 =	sadd.s32 s28, s7;
	[tilespmem:s29+$0xC0] =	vst v1;
	v1 =	vmul.f32 $8.000000000e+00, v3  }
0xb0: {  	s28 =	sshll.u32 s28, $0xA;
	v2 =	vmul.f32 $8.000000000e+00, v4;
	[tilespmem:s29+$0xD0] =	vst v0  }
0xb1: {  	s28 =	sand.u32 $0x1FFFF400, s28;
	[tilespmem:s29+$0xE0] =	vst v1  }
0xb2: {  	s28 =	sadd.s32 s2, s28;
	[tilespmem:s29+$0xFFFFFF00] =	vst v2  }
0xb3: {  	[hbm4b:s28+s3] =	stream.linear.scatter [tilespmem:s12], [sflag:$0x6], $0x2000, $0x38;
	[tilespmem:$0xE400] =	vst v63  }
0xb4: {  	_ =	swait.ge [sflag:s17], $0x2000  }
0xb5: {  	[sflag:s17] =	ssyncset.done $0x0  }
0xb6: {  	p0 =	seq.s32 s24, $0x31;
	[sflag:s17] =	ssyncadd.s32 $0xFFFFE000  }
0xb7: {  	s28 =	sshll.u32 @!p0 s24, $0x9;
	_ =	swait.ge [sflag:s18], $0x2000  }
0xb8: {  	s30 =	simm.s32 @!p0 $0x80;
	s28 =	sand.u32 @!p0 $0x3FFFFE00, s28;
	[sflag:s18] =	ssyncset.done $0x0  }
0xb9: {  	s31 =	simm.s32 @!p0 $0x6400;
	s29 =	sadd.s32 @!p0 $0x200, s28;
	[sflag:s18] =	ssyncadd.s32 $0xFFFFE000  }
0xba: {  	[tilespmem:s31], [sflag:$0x1] =	stream.indirect.gather @!p0 [hbm4b:s5+s30], $0x40, s29, s30, $0xb8;
	[tilespmem:$0xE400] =	vst v63  }
0xbb: {  	s29 =	simm.s32 $0xA500  }
0xbc: {  	v0 =	vld [tilespmem:s29+$0xF0]  }
0xbd: {  	v1 =	vld [tilespmem:s29+$0xFFFFFF10]  }
0xbe: {  	v2 =	vld [tilespmem:s29+$0xFFFFFF20]  }
0xbf: {  	v3 =	vld [tilespmem:s29+$0xFFFFFF30]  }
0xc0: {  	v4 =	vld [tilespmem:s29+$0xFFFFFF40]  }
0xc1: {  	v5 =	vld [tilespmem:s29+$0xFFFFFF50];
	v0 =	vmul.f32 $8.000000000e+00, v0  }
0xc2: {  	v6 =	vld [tilespmem:s29+$0xFFFFFF60];
	v1 =	vmul.f32 $8.000000000e+00, v1  }
0xc3: {  	v7 =	vld [tilespmem:s29+$0xFFFFFF70];
	v2 =	vmul.f32 $8.000000000e+00, v2;
	[tilespmem:s29+$0xF0] =	vst v0  }
0xc4: {  	[tilespmem:s29+$0xFFFFFF10] =	vst v1;
	v0 =	vmul.f32 $8.000000000e+00, v3;
	v1 =	vld [tilespmem:s29+$0xFFFFFF80]  }
0xc5: {  	[tilespmem:s29+$0xFFFFFF20] =	vst v2;
	v2 =	vmul.f32 $8.000000000e+00, v4;
	v3 =	vld [tilespmem:s29+$0xFFFFFF90]  }
0xc6: {  	v4 =	vld [tilespmem:s29+$0xFFFFFFA0];
	[tilespmem:s29+$0xFFFFFF30] =	vst v0;
	v0 =	vmul.f32 $8.000000000e+00, v5  }
0xc7: {  	[tilespmem:s29+$0xFFFFFF40] =	vst v2;
	v2 =	vmul.f32 $8.000000000e+00, v6;
	v5 =	vld [tilespmem:s29+$0xFFFFFFB0]  }
0xc8: {  	v6 =	vld [tilespmem:s29+$0xFFFFFFC0];
	[tilespmem:s29+$0xFFFFFF50] =	vst v0;
	v0 =	vmul.f32 $8.000000000e+00, v7  }
0xc9: {  	[tilespmem:s29+$0xFFFFFF60] =	vst v2;
	v2 =	vld [tilespmem:s29+$0xFFFFFFD0];
	v1 =	vmul.f32 $8.000000000e+00, v1  }
0xca: {  	[tilespmem:s29+$0xFFFFFF70] =	vst v0;
	v0 =	vmul.f32 $8.000000000e+00, v3;
	v3 =	vld [tilespmem:s29+$0xFFFFFFE0]  }
0xcb: {  	[tilespmem:s29+$0xFFFFFF80] =	vst v1;
	v1 =	vmul.f32 $8.000000000e+00, v4;
	v4 =	vld [tilespmem:s29+$0xFFFFFFF0]  }
0xcc: {  	[tilespmem:s29+$0xFFFFFF90] =	vst v0;
	v0 =	vmul.f32 $8.000000000e+00, v5;
	v5 =	vld [tilespmem:s29+$0x0]  }
0xcd: {  	[tilespmem:s29+$0xFFFFFFA0] =	vst v1;
	v1 =	vmul.f32 $8.000000000e+00, v6;
	v6 =	vld [tilespmem:s29+$0x10]  }
0xce: {  	[tilespmem:s29+$0xFFFFFFB0] =	vst v0;
	v0 =	vmul.f32 $8.000000000e+00, v2;
	v2 =	vld [tilespmem:s29+$0x20]  }
0xcf: {  	[tilespmem:s29+$0xFFFFFFC0] =	vst v1;
	v1 =	vmul.f32 $8.000000000e+00, v3;
	v3 =	vld [tilespmem:s29+$0x30]  }
0xd0: {  	[tilespmem:s29+$0xFFFFFFD0] =	vst v0;
	v0 =	vmul.f32 $8.000000000e+00, v4;
	v4 =	vld [tilespmem:s29+$0x40]  }
0xd1: {  	[tilespmem:s29+$0xFFFFFFE0] =	vst v1;
	v1 =	vmul.f32 $8.000000000e+00, v5;
	v5 =	vld [tilespmem:s29+$0x50]  }
0xd2: {  	[tilespmem:s29+$0xFFFFFFF0] =	vst v0;
	v0 =	vmul.f32 $8.000000000e+00, v6;
	v6 =	vld [tilespmem:s29+$0x60]  }
0xd3: {  	[tilespmem:s29+$0x0] =	vst v1;
	v1 =	vmul.f32 $8.000000000e+00, v2;
	v2 =	vld [tilespmem:s29+$0x70]  }
0xd4: {  	[tilespmem:s29+$0x10] =	vst v0;
	v0 =	vmul.f32 $8.000000000e+00, v3;
	v3 =	vld [tilespmem:s29+$0x80]  }
0xd5: {  	[tilespmem:s29+$0x20] =	vst v1;
	v1 =	vmul.f32 $8.000000000e+00, v4;
	v4 =	vld [tilespmem:s29+$0x90]  }
0xd6: {  	v7 =	vld [tilespmem:s29+$0xA0];
	[tilespmem:s29+$0x30] =	vst v0;
	v5 =	vmul.f32 $8.000000000e+00, v5  }
0xd7: {  	v0 =	vld [tilespmem:s29+$0xB0];
	[tilespmem:s29+$0x40] =	vst v1;
	v6 =	vmul.f32 $8.000000000e+00, v6  }
0xd8: {  	v1 =	vld [tilespmem:s29+$0xC0];
	[tilespmem:s29+$0x50] =	vst v5;
	v5 =	vmul.f32 $8.000000000e+00, v2  }
0xd9: {  	v2 =	vld [tilespmem:s29+$0xD0];
	[tilespmem:s29+$0x60] =	vst v6;
	v6 =	vmul.f32 $8.000000000e+00, v3  }
0xda: {  	v3 =	vld [tilespmem:s29+$0xE0];
	[tilespmem:s29+$0x70] =	vst v5;
	v5 =	vmul.f32 $8.000000000e+00, v4  }
0xdb: {  	s30 =	simm.s32 $0x0;
	s31 =	simm.s32 $0xA700;
	v4 =	vld [tilespmem:s29+$0xFFFFFF00];
	[tilespmem:s29+$0x80] =	vst v6;
	v6 =	vmul.f32 $8.000000000e+00, v7  }
.LBB2_7:
0xdc: {  	v7 =	vld [tilespmem:s31+$0xF0];
	s30 =	sadd.s32 $0x8, s30;
	[tilespmem:s29+$0x90] =	vst v5;
	v0 =	vmul.f32 $8.000000000e+00, v0  }
0xdd: {  	v5 =	vld [tilespmem:s31+$0xFFFFFF10];
	p1 =	slt.u32 s30, $0x78;
	[tilespmem:s29+$0xA0] =	vst v6;
	v1 =	vmul.f32 $8.000000000e+00, v1  }
0xde: {  	v6 =	vld [tilespmem:s31+$0xFFFFFF20];
	[tilespmem:s29+$0xB0] =	vst v0;
	v0 =	vmul.f32 $8.000000000e+00, v2  }
0xdf: {  	v2 =	vld [tilespmem:s31+$0xFFFFFF30];
	[tilespmem:s29+$0xC0] =	vst v1;
	v1 =	vmul.f32 $8.000000000e+00, v3  }
0xe0: {  	v3 =	vld [tilespmem:s31+$0xFFFFFF40];
	v4 =	vmul.f32 $8.000000000e+00, v4;
	[tilespmem:s29+$0xD0] =	vst v0  }
0xe1: {  	v0 =	vld [tilespmem:s31+$0xFFFFFF50];
	v7 =	vmul.f32 $8.000000000e+00, v7;
	[tilespmem:s29+$0xE0] =	vst v1  }
0xe2: {  	v1 =	vmul.f32 $8.000000000e+00, v5;
	v5 =	vld [tilespmem:s31+$0xFFFFFF60];
	[tilespmem:s29+$0xFFFFFF00] =	vst v4;
	s29 =	smov.u32 s31  }
0xe3: {  	v4 =	vmul.f32 $8.000000000e+00, v6;
	v6 =	vld [tilespmem:s31+$0xFFFFFF70];
	[tilespmem:s31+$0xF0] =	vst v7  }
0xe4: {  	[tilespmem:s31+$0xFFFFFF10] =	vst v1;
	v1 =	vmul.f32 $8.000000000e+00, v2;
	v2 =	vld [tilespmem:s31+$0xFFFFFF80]  }
0xe5: {  	[tilespmem:s31+$0xFFFFFF20] =	vst v4;
	v3 =	vmul.f32 $8.000000000e+00, v3;
	v4 =	vld [tilespmem:s31+$0xFFFFFF90]  }
0xe6: {  	[tilespmem:s31+$0xFFFFFF30] =	vst v1;
	v0 =	vmul.f32 $8.000000000e+00, v0;
	v1 =	vld [tilespmem:s31+$0xFFFFFFA0]  }
0xe7: {  	[tilespmem:s31+$0xFFFFFF40] =	vst v3;
	v3 =	vmul.f32 $8.000000000e+00, v5;
	v5 =	vld [tilespmem:s31+$0xFFFFFFB0]  }
0xe8: {  	[tilespmem:s31+$0xFFFFFF50] =	vst v0;
	v0 =	vmul.f32 $8.000000000e+00, v6;
	v6 =	vld [tilespmem:s31+$0xFFFFFFC0]  }
0xe9: {  	[tilespmem:s31+$0xFFFFFF60] =	vst v3;
	v2 =	vmul.f32 $8.000000000e+00, v2;
	v3 =	vld [tilespmem:s31+$0xFFFFFFD0]  }
0xea: {  	[tilespmem:s31+$0xFFFFFF70] =	vst v0;
	v0 =	vmul.f32 $8.000000000e+00, v4;
	v4 =	vld [tilespmem:s31+$0xFFFFFFE0]  }
0xeb: {  	[tilespmem:s31+$0xFFFFFF80] =	vst v2;
	v1 =	vmul.f32 $8.000000000e+00, v1;
	v2 =	vld [tilespmem:s31+$0xFFFFFFF0]  }
0xec: {  	[tilespmem:s31+$0xFFFFFF90] =	vst v0;
	v0 =	vmul.f32 $8.000000000e+00, v5;
	v5 =	vld [tilespmem:s31+$0x0]  }
0xed: {  	[tilespmem:s31+$0xFFFFFFA0] =	vst v1;
	v1 =	vmul.f32 $8.000000000e+00, v6;
	v6 =	vld [tilespmem:s31+$0x10]  }
0xee: {  	[tilespmem:s31+$0xFFFFFFB0] =	vst v0;
	v0 =	vmul.f32 $8.000000000e+00, v3;
	v3 =	vld [tilespmem:s31+$0x20]  }
0xef: {  	[tilespmem:s31+$0xFFFFFFC0] =	vst v1;
	v1 =	vmul.f32 $8.000000000e+00, v4;
	v4 =	vld [tilespmem:s31+$0x30]  }
0xf0: {  	[tilespmem:s31+$0xFFFFFFD0] =	vst v0;
	v0 =	vmul.f32 $8.000000000e+00, v2;
	v2 =	vld [tilespmem:s31+$0x40]  }
0xf1: {  	[tilespmem:s31+$0xFFFFFFE0] =	vst v1;
	v1 =	vmul.f32 $8.000000000e+00, v5;
	v5 =	vld [tilespmem:s31+$0x50]  }
0xf2: {  	[tilespmem:s31+$0xFFFFFFF0] =	vst v0;
	v0 =	vmul.f32 $8.000000000e+00, v6;
	v6 =	vld [tilespmem:s31+$0x60]  }
0xf3: {  	[tilespmem:s31+$0x0] =	vst v1;
	v1 =	vmul.f32 $8.000000000e+00, v3;
	v3 =	vld [tilespmem:s31+$0x70]  }
0xf4: {  	[tilespmem:s31+$0x10] =	vst v0;
	v0 =	vmul.f32 $8.000000000e+00, v4;
	v4 =	vld [tilespmem:s31+$0x80]  }
0xf5: {  	[tilespmem:s31+$0x20] =	vst v1;
	v1 =	vmul.f32 $8.000000000e+00, v2;
	v7 =	vld [tilespmem:s31+$0x90]  }
0xf6: {  	[tilespmem:s31+$0x30] =	vst v0;
	v2 =	vmul.f32 $8.000000000e+00, v5;
	v8 =	vld [tilespmem:s31+$0xA0]  }
.Ltmp2:
0xf7: {  	[tilespmem:s31+$0x40] =	vst v1;
	v5 =	vmul.f32 $8.000000000e+00, v6;
	v0 =	vld [tilespmem:s31+$0xB0];
	(pc) =	sbr.rel @p1 .LBB2_7-.Ltmp2, $4  }
0xf8: {  	[tilespmem:s31+$0x50] =	vst v2;
	v3 =	vmul.f32 $8.000000000e+00, v3;
	v1 =	vld [tilespmem:s31+$0xC0]  }
0xf9: {  	[tilespmem:s31+$0x60] =	vst v5;
	v6 =	vmul.f32 $8.000000000e+00, v4;
	v2 =	vld [tilespmem:s31+$0xD0]  }
0xfa: {  	[tilespmem:s31+$0x70] =	vst v3;
	v5 =	vmul.f32 $8.000000000e+00, v7;
	v3 =	vld [tilespmem:s31+$0xE0]  }
0xfb: {  	s31 =	sadd.s32 $0x200, s31;
	v4 =	vld [tilespmem:s29+$0xFFFFFF00];
	[tilespmem:s29+$0x80] =	vst v6;
	v6 =	vmul.f32 $8.000000000e+00, v8  }
0xfc: {  	[tilespmem:s29+$0x90] =	vst v5;
	v0 =	vmul.f32 $8.000000000e+00, v0  }
0xfd: {  	[tilespmem:s29+$0xA0] =	vst v6;
	v1 =	vmul.f32 $8.000000000e+00, v1  }
0xfe: {  	[tilespmem:s29+$0xB0] =	vst v0;
	v0 =	vmul.f32 $8.000000000e+00, v2  }
0xff: {  	s25 =	sadd.s32 s4, s25;
	[tilespmem:s29+$0xC0] =	vst v1;
	v1 =	vmul.f32 $8.000000000e+00, v3  }
0x100: {  	s25 =	sshll.u32 s25, $0xA;
	v2 =	vmul.f32 $8.000000000e+00, v4;
	[tilespmem:s29+$0xD0] =	vst v0  }
0x101: {  	s25 =	sand.u32 $0x1FFFF800, s25;
	[tilespmem:s29+$0xE0] =	vst v1  }
0x102: {  	s25 =	sadd.s32 s2, s25;
	[tilespmem:s29+$0xFFFFFF00] =	vst v2  }
0x103: {  	[hbm4b:s25+s3] =	stream.linear.scatter [tilespmem:s14], [sflag:$0x7], $0x2000, $0x38;
	[tilespmem:$0xE400] =	vst v63  }
0x104: {  	_ =	swait.ge [sflag:s19], $0x2000  }
0x105: {  	[sflag:s19] =	ssyncset.done $0x0  }
0x106: {  	[sflag:s19] =	ssyncadd.s32 $0xFFFFE000  }
0x107: {  	_ =	swait.ge [sflag:s20], $0x2000  }
0x108: {  	s29 =	simm.s32 @!p0 $0x8400;
	[sflag:s20] =	ssyncset.done $0x0  }
0x109: {  	s25 =	sadd.s32 @!p0 $0x280, s28;
	s28 =	simm.s32 @!p0 $0x80;
	[sflag:s20] =	ssyncadd.s32 $0xFFFFE000  }
0x10a: {  	[tilespmem:s29], [sflag:$0x2] =	stream.indirect.gather @!p0 [hbm4b:s5+s28], $0x40, s25, s28, $0xb8;
	[tilespmem:$0xE400] =	vst v63  }
0x10b: {  	s25 =	simm.s32 $0xC500  }
0x10c: {  	v0 =	vld [tilespmem:s25+$0xF0]  }
0x10d: {  	v1 =	vld [tilespmem:s25+$0xFFFFFF10]  }
0x10e: {  	v2 =	vld [tilespmem:s25+$0xFFFFFF20]  }
0x10f: {  	v3 =	vld [tilespmem:s25+$0xFFFFFF30]  }
0x110: {  	v4 =	vld [tilespmem:s25+$0xFFFFFF40]  }
0x111: {  	v5 =	vld [tilespmem:s25+$0xFFFFFF50];
	v0 =	vmul.f32 $8.000000000e+00, v0  }
0x112: {  	v6 =	vld [tilespmem:s25+$0xFFFFFF60];
	v1 =	vmul.f32 $8.000000000e+00, v1  }
0x113: {  	v7 =	vld [tilespmem:s25+$0xFFFFFF70];
	v2 =	vmul.f32 $8.000000000e+00, v2;
	[tilespmem:s25+$0xF0] =	vst v0  }
0x114: {  	[tilespmem:s25+$0xFFFFFF10] =	vst v1;
	v0 =	vmul.f32 $8.000000000e+00, v3;
	v1 =	vld [tilespmem:s25+$0xFFFFFF80]  }
0x115: {  	[tilespmem:s25+$0xFFFFFF20] =	vst v2;
	v2 =	vmul.f32 $8.000000000e+00, v4;
	v3 =	vld [tilespmem:s25+$0xFFFFFF90]  }
0x116: {  	v4 =	vld [tilespmem:s25+$0xFFFFFFA0];
	[tilespmem:s25+$0xFFFFFF30] =	vst v0;
	v0 =	vmul.f32 $8.000000000e+00, v5  }
0x117: {  	[tilespmem:s25+$0xFFFFFF40] =	vst v2;
	v2 =	vmul.f32 $8.000000000e+00, v6;
	v5 =	vld [tilespmem:s25+$0xFFFFFFB0]  }
0x118: {  	v6 =	vld [tilespmem:s25+$0xFFFFFFC0];
	[tilespmem:s25+$0xFFFFFF50] =	vst v0;
	v0 =	vmul.f32 $8.000000000e+00, v7  }
0x119: {  	[tilespmem:s25+$0xFFFFFF60] =	vst v2;
	v2 =	vld [tilespmem:s25+$0xFFFFFFD0];
	v1 =	vmul.f32 $8.000000000e+00, v1  }
0x11a: {  	[tilespmem:s25+$0xFFFFFF70] =	vst v0;
	v0 =	vmul.f32 $8.000000000e+00, v3;
	v3 =	vld [tilespmem:s25+$0xFFFFFFE0]  }
0x11b: {  	[tilespmem:s25+$0xFFFFFF80] =	vst v1;
	v1 =	vmul.f32 $8.000000000e+00, v4;
	v4 =	vld [tilespmem:s25+$0xFFFFFFF0]  }
0x11c: {  	[tilespmem:s25+$0xFFFFFF90] =	vst v0;
	v0 =	vmul.f32 $8.000000000e+00, v5;
	v5 =	vld [tilespmem:s25+$0x0]  }
0x11d: {  	[tilespmem:s25+$0xFFFFFFA0] =	vst v1;
	v1 =	vmul.f32 $8.000000000e+00, v6;
	v6 =	vld [tilespmem:s25+$0x10]  }
0x11e: {  	[tilespmem:s25+$0xFFFFFFB0] =	vst v0;
	v0 =	vmul.f32 $8.000000000e+00, v2;
	v2 =	vld [tilespmem:s25+$0x20]  }
0x11f: {  	[tilespmem:s25+$0xFFFFFFC0] =	vst v1;
	v1 =	vmul.f32 $8.000000000e+00, v3;
	v3 =	vld [tilespmem:s25+$0x30]  }
0x120: {  	[tilespmem:s25+$0xFFFFFFD0] =	vst v0;
	v0 =	vmul.f32 $8.000000000e+00, v4;
	v4 =	vld [tilespmem:s25+$0x40]  }
0x121: {  	[tilespmem:s25+$0xFFFFFFE0] =	vst v1;
	v1 =	vmul.f32 $8.000000000e+00, v5;
	v5 =	vld [tilespmem:s25+$0x50]  }
0x122: {  	[tilespmem:s25+$0xFFFFFFF0] =	vst v0;
	v0 =	vmul.f32 $8.000000000e+00, v6;
	v6 =	vld [tilespmem:s25+$0x60]  }
0x123: {  	[tilespmem:s25+$0x0] =	vst v1;
	v1 =	vmul.f32 $8.000000000e+00, v2;
	v2 =	vld [tilespmem:s25+$0x70]  }
0x124: {  	[tilespmem:s25+$0x10] =	vst v0;
	v0 =	vmul.f32 $8.000000000e+00, v3;
	v3 =	vld [tilespmem:s25+$0x80]  }
0x125: {  	[tilespmem:s25+$0x20] =	vst v1;
	v1 =	vmul.f32 $8.000000000e+00, v4;
	v4 =	vld [tilespmem:s25+$0x90]  }
0x126: {  	v7 =	vld [tilespmem:s25+$0xA0];
	[tilespmem:s25+$0x30] =	vst v0;
	v5 =	vmul.f32 $8.000000000e+00, v5  }
0x127: {  	v0 =	vld [tilespmem:s25+$0xB0];
	[tilespmem:s25+$0x40] =	vst v1;
	v6 =	vmul.f32 $8.000000000e+00, v6  }
0x128: {  	v1 =	vld [tilespmem:s25+$0xC0];
	[tilespmem:s25+$0x50] =	vst v5;
	v5 =	vmul.f32 $8.000000000e+00, v2  }
0x129: {  	v2 =	vld [tilespmem:s25+$0xD0];
	[tilespmem:s25+$0x60] =	vst v6;
	v6 =	vmul.f32 $8.000000000e+00, v3  }
0x12a: {  	v3 =	vld [tilespmem:s25+$0xE0];
	[tilespmem:s25+$0x70] =	vst v5;
	v5 =	vmul.f32 $8.000000000e+00, v4  }
0x12b: {  	s28 =	simm.s32 $0x0;
	s29 =	simm.s32 $0xC700;
	v4 =	vld [tilespmem:s25+$0xFFFFFF00];
	[tilespmem:s25+$0x80] =	vst v6;
	v6 =	vmul.f32 $8.000000000e+00, v7  }
.LBB2_9:
0x12c: {  	v7 =	vld [tilespmem:s29+$0xF0];
	s28 =	sadd.s32 $0x8, s28;
	[tilespmem:s25+$0x90] =	vst v5;
	v0 =	vmul.f32 $8.000000000e+00, v0  }
0x12d: {  	v5 =	vld [tilespmem:s29+$0xFFFFFF10];
	p0 =	slt.u32 s28, $0x78;
	[tilespmem:s25+$0xA0] =	vst v6;
	v1 =	vmul.f32 $8.000000000e+00, v1  }
0x12e: {  	v6 =	vld [tilespmem:s29+$0xFFFFFF20];
	[tilespmem:s25+$0xB0] =	vst v0;
	v0 =	vmul.f32 $8.000000000e+00, v2  }
0x12f: {  	v2 =	vld [tilespmem:s29+$0xFFFFFF30];
	[tilespmem:s25+$0xC0] =	vst v1;
	v1 =	vmul.f32 $8.000000000e+00, v3  }
0x130: {  	v3 =	vld [tilespmem:s29+$0xFFFFFF40];
	v4 =	vmul.f32 $8.000000000e+00, v4;
	[tilespmem:s25+$0xD0] =	vst v0  }
0x131: {  	v0 =	vld [tilespmem:s29+$0xFFFFFF50];
	v7 =	vmul.f32 $8.000000000e+00, v7;
	[tilespmem:s25+$0xE0] =	vst v1  }
0x132: {  	v1 =	vmul.f32 $8.000000000e+00, v5;
	v5 =	vld [tilespmem:s29+$0xFFFFFF60];
	[tilespmem:s25+$0xFFFFFF00] =	vst v4;
	s25 =	smov.u32 s29  }
0x133: {  	v4 =	vmul.f32 $8.000000000e+00, v6;
	v6 =	vld [tilespmem:s29+$0xFFFFFF70];
	[tilespmem:s29+$0xF0] =	vst v7  }
0x134: {  	[tilespmem:s29+$0xFFFFFF10] =	vst v1;
	v1 =	vmul.f32 $8.000000000e+00, v2;
	v2 =	vld [tilespmem:s29+$0xFFFFFF80]  }
0x135: {  	[tilespmem:s29+$0xFFFFFF20] =	vst v4;
	v3 =	vmul.f32 $8.000000000e+00, v3;
	v4 =	vld [tilespmem:s29+$0xFFFFFF90]  }
0x136: {  	[tilespmem:s29+$0xFFFFFF30] =	vst v1;
	v0 =	vmul.f32 $8.000000000e+00, v0;
	v1 =	vld [tilespmem:s29+$0xFFFFFFA0]  }
0x137: {  	[tilespmem:s29+$0xFFFFFF40] =	vst v3;
	v3 =	vmul.f32 $8.000000000e+00, v5;
	v5 =	vld [tilespmem:s29+$0xFFFFFFB0]  }
0x138: {  	[tilespmem:s29+$0xFFFFFF50] =	vst v0;
	v0 =	vmul.f32 $8.000000000e+00, v6;
	v6 =	vld [tilespmem:s29+$0xFFFFFFC0]  }
0x139: {  	[tilespmem:s29+$0xFFFFFF60] =	vst v3;
	v2 =	vmul.f32 $8.000000000e+00, v2;
	v3 =	vld [tilespmem:s29+$0xFFFFFFD0]  }
0x13a: {  	[tilespmem:s29+$0xFFFFFF70] =	vst v0;
	v0 =	vmul.f32 $8.000000000e+00, v4;
	v4 =	vld [tilespmem:s29+$0xFFFFFFE0]  }
0x13b: {  	[tilespmem:s29+$0xFFFFFF80] =	vst v2;
	v1 =	vmul.f32 $8.000000000e+00, v1;
	v2 =	vld [tilespmem:s29+$0xFFFFFFF0]  }
0x13c: {  	[tilespmem:s29+$0xFFFFFF90] =	vst v0;
	v0 =	vmul.f32 $8.000000000e+00, v5;
	v5 =	vld [tilespmem:s29+$0x0]  }
0x13d: {  	[tilespmem:s29+$0xFFFFFFA0] =	vst v1;
	v1 =	vmul.f32 $8.000000000e+00, v6;
	v6 =	vld [tilespmem:s29+$0x10]  }
0x13e: {  	[tilespmem:s29+$0xFFFFFFB0] =	vst v0;
	v0 =	vmul.f32 $8.000000000e+00, v3;
	v3 =	vld [tilespmem:s29+$0x20]  }
0x13f: {  	[tilespmem:s29+$0xFFFFFFC0] =	vst v1;
	v1 =	vmul.f32 $8.000000000e+00, v4;
	v4 =	vld [tilespmem:s29+$0x30]  }
0x140: {  	[tilespmem:s29+$0xFFFFFFD0] =	vst v0;
	v0 =	vmul.f32 $8.000000000e+00, v2;
	v2 =	vld [tilespmem:s29+$0x40]  }
0x141: {  	[tilespmem:s29+$0xFFFFFFE0] =	vst v1;
	v1 =	vmul.f32 $8.000000000e+00, v5;
	v5 =	vld [tilespmem:s29+$0x50]  }
0x142: {  	[tilespmem:s29+$0xFFFFFFF0] =	vst v0;
	v0 =	vmul.f32 $8.000000000e+00, v6;
	v6 =	vld [tilespmem:s29+$0x60]  }
0x143: {  	[tilespmem:s29+$0x0] =	vst v1;
	v1 =	vmul.f32 $8.000000000e+00, v3;
	v3 =	vld [tilespmem:s29+$0x70]  }
0x144: {  	[tilespmem:s29+$0x10] =	vst v0;
	v0 =	vmul.f32 $8.000000000e+00, v4;
	v4 =	vld [tilespmem:s29+$0x80]  }
0x145: {  	[tilespmem:s29+$0x20] =	vst v1;
	v1 =	vmul.f32 $8.000000000e+00, v2;
	v7 =	vld [tilespmem:s29+$0x90]  }
0x146: {  	[tilespmem:s29+$0x30] =	vst v0;
	v2 =	vmul.f32 $8.000000000e+00, v5;
	v8 =	vld [tilespmem:s29+$0xA0]  }
.Ltmp3:
0x147: {  	[tilespmem:s29+$0x40] =	vst v1;
	v5 =	vmul.f32 $8.000000000e+00, v6;
	v0 =	vld [tilespmem:s29+$0xB0];
	(pc) =	sbr.rel @p0 .LBB2_9-.Ltmp3, $4  }
0x148: {  	[tilespmem:s29+$0x50] =	vst v2;
	v3 =	vmul.f32 $8.000000000e+00, v3;
	v1 =	vld [tilespmem:s29+$0xC0]  }
0x149: {  	[tilespmem:s29+$0x60] =	vst v5;
	v6 =	vmul.f32 $8.000000000e+00, v4;
	v2 =	vld [tilespmem:s29+$0xD0]  }
0x14a: {  	[tilespmem:s29+$0x70] =	vst v3;
	v5 =	vmul.f32 $8.000000000e+00, v7;
	v3 =	vld [tilespmem:s29+$0xE0]  }
0x14b: {  	s29 =	sadd.s32 $0x200, s29;
	v4 =	vld [tilespmem:s25+$0xFFFFFF00];
	[tilespmem:s25+$0x80] =	vst v6;
	v6 =	vmul.f32 $8.000000000e+00, v8  }
0x14c: {  	[tilespmem:s25+$0x90] =	vst v5;
	v0 =	vmul.f32 $8.000000000e+00, v0  }
0x14d: {  	s24 =	sadd.s32 $0x1, s24;
	[tilespmem:s25+$0xA0] =	vst v6;
	v1 =	vmul.f32 $8.000000000e+00, v1  }
0x14e: {  	p0 =	sne.s32 s24, $0x32;
	[tilespmem:s25+$0xB0] =	vst v0;
	v61 =	vmul.f32 $8.000000000e+00, v2  }
.Ltmp4:
0x14f: {  	s26 =	sadd.s32 s4, s26;
	[tilespmem:s25+$0xC0] =	vst v1;
	v62 =	vmul.f32 $8.000000000e+00, v3;
	(pc) =	sbr.rel @p0 .LBB2_2-.Ltmp4, $4  }
0x150: {  	s26 =	sshll.u32 s26, $0xA;
	v63 =	vmul.f32 $8.000000000e+00, v4;
	[tilespmem:s25+$0xD0] =	vst v61  }
0x151: {  	s26 =	sand.u32 $0x1FFFFC00, s26;
	[tilespmem:s25+$0xE0] =	vst v62  }
0x152: {  	s31 =	sadd.s32 s2, s26;
	[tilespmem:s25+$0xFFFFFF00] =	vst v63  }
0x153: {  	[hbm4b:s31+s3] =	stream.linear.scatter [tilespmem:s16], [sflag:$0x8], $0x2000, $0x38;
	[tilespmem:$0xE400] =	vst v63  }
0x154: {  	s23 =	sadd.s32 $0x1, s23  }
0x155: {  	_ =	swait.ge [sflag:s21], $0x2000;
	p0 =	sne.s32 s23, s8  }
.Ltmp5:
0x156: {  	[sflag:s21] =	ssyncset.done $0x0;
	(pc) =	sbr.rel @p0 .LBB2_1-.Ltmp5, $4  }
0x157: {  	[sflag:s21] =	ssyncadd.s32 $0xFFFFE000  }
0x158: {  	_ =	swait.ge [sflag:s22], $0x2000  }
0x159: {  	[sflag:s22] =	ssyncset.done $0x0  }
0x15a: {  	[sflag:s22] =	ssyncadd.s32 $0xFFFFE000  }
0x15b: {  	_ =	sfence.sel $0x180000  }
0x15c: {  	[bflag:$0x0] =	sbarrier.arrive $0xFFFF  }
0x15d: {  	p0 =	sne.s32 s0, $0x0;
	_ =	strace $0x90000047  }
0x15e: {  	s0 =	sadd.s32 @!p0 $0x100000, s1;
	[bflag:$0x2] =	sbarrier.arrive $0xFFFF  }
0x15f: {  	[sflag:s0] =	ssyncadd.tile.s32 @!p0 $0x1;
	_ =	shalt  }
.Lfunc_end2:
_tile_overlayer_lowered:
.L_overlay_start_2:
0x160: {  	(tag) =	ssettag $0x2  }
0x161: {  	s0 =	rddreg [dreg:$0x0];
	s2 =	stileid.u32  }
0x162: {  	s1 =	rddreg [dreg:$0x1];
	p0 =	sne.s32 s2, $0x0  }
0x163: {  	s3 =	rddreg [dreg:$0x2];
	[bflag:$0x3] =	sbarrier.arrive $0xFFFF;
	s2 =	simm.s32 @!p0 $0x1C09  }
0x164: {  	[timem:s3], [sflag:s2] =	dma.local @!p0 [hbm:s0], s1  }
0x165: {  	s0 =	simm.s32 @!p0 $0x9  }
0x166: {  	_ =	swait.ge @!p0 [sflag:s0], s1  }
0x167: {  	s1 =	ssub.s32 @!p0 $0x0, s1;
	[sflag:s0] =	ssyncset.done @!p0 $0x0  }
0x168: {  	[sflag:s0] =	ssyncadd.s32 @!p0 s1  }
0x169: {  	[bflag:$0x3] =	sbarrier.arrive $0xFFFF  }
0x16a: {  	_ =	shalt  }

// kernel: sparse-core-data-format-call.cloned.1.call-start
scs
called_computation_lowered:
.L_overlay_start_0:
0x0: {  	s2 =	sld [smem:$0x3FD9]  }
0x1: {  	s3 =	sld [smem:$0x3FFE];
	_ =	sdelay $0x1  }
0x2: {  	s1 =	srdreg.scid  }
0x3: {  	s0 =	sand.u32 $0x1, s1  }
0x4: {  	s18 =	sshll.u32 s0, $0xA;
	s2 =	sadd.s32 s3, s2  }
0x5: {  	s2 =	sadd.s32 s2, s18  }
0x6: {  	[smem:$0x3FC6] =	sst s2  }
0x7: {  	_ = 	snop  }
0x8: {  	s2 =	sld [smem:$0x3FD0];
	(tm) =	ssettm $0x1  }
0x9: {  	s19 =	sld [smem:$0x3FFB];
	_ =	sdelay $0x3  }
0xa: {  	_ =	strace s19  }
0xb: {  	s3 =	sld [smem:$0x3FFC];
	_ =	sdelay $0x3  }
0xc: {  	_ =	strace s3  }
0xd: {  	s3 =	sld [smem:$0x3FFD];
	_ =	sdelay $0x3  }
0xe: {  	_ =	strace s3  }
0xf: {  	_ =	strace $0x8FFFFFFF  }
0x10: {  	s20 =	sld [smem:$0x3FDB];
	_ =	sdelay $0x1  }
0x11: {  	s4 =	simm.s32 $_scs_section_size  }
0x12: {  	s5 =	simm.s32 $_size__tile_overlayer_lowered;
	s6 =	simm.s32 $_tile_overlayer_lowered  }
0x13: {  	s23 =	simm.s32 $0x1BFF;
	s22 =	sshll.u32 s6, $0x1;
	s3 =	sadd.s32 s4, s20  }
0x14: {  	s7 =	simm.s32 $0x0;
	s21 =	sshll.u32 s5, $0x1;
	s5 =	sadd.s32 s22, s3  }
0x15: {  	[timem:s7], [sflag:s23] =	dma.local [hbm:s5], s21  }
0x16: {  	_ =	swait.ge [sflag:s23], s21  }
0x17: {  	s4 =	ssub.s32 $0x0, s21;
	[sflag:s23] =	ssyncset.done $0x0  }
0x18: {  	[sflag:s23] =	ssyncadd.s32 s4;
	_ =	sdelay $0x1  }
0x19: {  	s24 =	simm.s32 $0x1B8B  }
0x1a: {  	_ =	swait.ge [sflag:s24], $0x1  }
0x1b: {  	[sflag:s24] =	ssyncset.done $0x0  }
0x1c: {  	s26 =	simm.s32 $0x1B8E;
	s25 =	sld [smem:$0x3FFE];
	[sflag:s24] =	ssyncadd.s32 $0xFFFFFFFF  }
0x1d: {  	s27 =	simm.s32 $execute0_lowered;
	[smem:$0x3FD2] =	sst s26  }
0x1e: {  	s5 =	sshll.u32 s27, $0x1;
	_ =	strace $0x80000049;
	[dreg:$0x1] =	wrdreg $0xFFFFFFFF  }
0x1f: {  	s28 =	simm.s32 $_size_execute0_lowered;
	s3 =	sadd.s32 s3, s5;
	[dreg:$0x0] =	wrdreg $0x0  }
0x20: {  	s5 =	sshll.u32 s28, $0x1;
	[dreg:$0x2] =	wrdreg s3  }
0x21: {  	[dreg:$0x3] =	wrdreg s5  }
0x22: {  	[dreg:$0x4] =	wrdreg $0xC0  }
0x23: {  	_ =	task [dreg:s7], $0x5FFFF  }
0x24: {  	[dreg:$0x1] =	wrdreg $0xFFFFFFFF  }
0x25: {  	[dreg:$0x0] =	wrdreg $0x60  }
0x26: {  	[dreg:$0x2] =	wrdreg s25  }
0x27: {  	[dreg:$0x3] =	wrdreg s2  }
0x28: {  	[dreg:$0x4] =	wrdreg $0x9  }
0x29: {  	_ =	task.clear_ibuf [dreg:s7], $0x5FFFF;
	_ =	strace $0x90000049  }
0x2a: {  	s29 =	simm.s32 $0x9;
	_ =	strace $0x8000004B  }
0x2b: {  	_ =	swait.ge [sflag:s29], $0x1  }
0x2c: {  	[sflag:s29] =	ssyncadd.s32 $0xFFFFFFFF  }
0x2d: {  	_ =	strace $0x9000004B  }
0x2e: {  	_ =	sfence  }
0x2f: {  	s30 =	sld [smem:$0x0];
	_ =	sdelay $0x2  }
0x30: {  	s31 =	sshll.u32 s1, $0xD;
	s1 =	sshrl.u32 s1, $0x2  }
0x31: {  	s3 =	sand.u32 $0x4000, s31;
	s1 =	sadd.s32 s1, s30  }
0x32: {  	s0 =	sor.u32 s3, s0;
	s1 =	sshll.u32 s1, $0x11  }
0x33: {  	s0 =	sor.u32 s1, s0  }
0x34: {  	s0 =	sadd.s32 $0x8F2B, s0  }
0x35: {  	[sflag:s0] =	ssyncadd.remote.s32 $0x1  }
0x36: {  	_ =	sfence.sel $0xFFFF  }
0x37: {  	[dreg:$0x0] =	wrdreg $0xFFFFFFFF;
	(pc) =	sbr.abs _section_cstart, $3  }
0x38: {  	[dreg:$0x1] =	wrdreg $0xFFFFFFFF  }
0x39: {  	_ =	task.clear_ibuf [dreg:s7], $0x2FFFF;
	_ =	strace $0x9FFFFFFF  }
0x3a: {  	(tm) =	ssettm $0x7FFFFFFF  }
0x3b: {  	_ =	shalt  }
tec
execute0_lowered:
.L_overlay_start_1:
0x0: {  	(tag) =	ssettag $0x1  }
0x1: {  	s0 =	srdreg.scid  }
0x2: {  	s1 =	sshll.u32 s0, $0x4  }
0x3: {  	s0 =	stileid.u32;
	s1 =	sand.u32 $0x10, s1  }
0x4: {  	s1 =	sor.u32 s0, s1  }
0x5: {  	s6 =	rddreg [dreg:$0x0];
	s4 =	simm.s32 $0x1;
	s2 =	sshll.u32 s1, $0x7  }
0x6: {  	s7 =	simm.s32 $0x2;
	s12 =	simm.s32 $0x0;
	s1 =	ssub.s32 $0x1000, s2  }
0x7: {  	s8 =	simm.s32 $0x8000;
	s13 =	simm.s32 $0x0;
	s3 =	sand.u32 $0xF80, s1  }
0x8: {  	s9 =	simm.s32 $0x0;
	s5 =	sshrl.u32 s1, $0xC;
	p0 =	sne.s32 s3, $0x0  }
.Ltmp0:
0x9: {  	s1 =	rddreg [dreg:$0x2];
	s4 =	simm.s32 @!p0 $0x0;
	(pc) =	sbr.rel .LBB1_1-.Ltmp0, $4  }
0xa: {  	s11 =	simm.s32 $0x0;
	s3 =	rddreg [dreg:$0x1];
	s5 =	sadd.s32 s4, s5  }
0xb: {  	_ =	strace $0x8000004A;
	s4 =	simm.s32 $0x1;
	s5 =	smul.u32 $0xC8, s5  }
0xc: {  	s6 =	sadd.s32 $0xA00, s6;
	s10 =	smov.u32 s2;
	[sflag:s4] =	ssyncpa.u1 $0x0  }
0xd: {  	p0 =	por $0x0, $0x0;
	[sflag:s7] =	ssyncpa.u1 $0x0;
	s7 =	sor.u32 $0x1, s5  }
.LBB1_4:
0xe: {  	s16 =	sshll.u32 s13, $0x3;
	s17 =	sand.u32 $0x78, s13  }
0xf: {  	s30 =	sand.u32 $0x7E00, s13;
	s12 =	sshll.u32 s12, $0xF;
	s16 =	sand.u32 $0xC00, s16  }
0x10: {  	[tilespmem:s15+$0x810 ss:$0x81] =	vst.msk $0xffff, v2;
	s31 =	sand.u32 $0x7, s13;
	s16 =	sor.u32 s17, s16;
	s17 =	sadd.s32 s3, s30  }
0x11: {  	[tilespmem:s15+$0x1020 ss:$0x81] =	vst.msk $0xffff, v0;
	s13 =	sshll.u32 s31, $0x12;
	s12 =	sadd.s32 s12, s17;
	s16 =	sshrl.u32 s16, $0x3  }
0x12: {  	[tilespmem:s15+$0x0 ss:$0x81] =	vst.msk $0xffff, v1;
	s13 =	sor.u32 $0x400, s13;
	s12 =	sadd.s32 s16, s12  }
0x13: {  	[hbm4b:s12+s13] =	stream.strided.scatter [tilespmem:s14], [sflag:$0x2], $0x2000, s8, s13, $0x20;
	[tilespmem:$0x8080] =	vst v63  }
.LBB1_5:
0x14: {  	s14 =	sadd.s32 $0x1, s9  }
0x15: {  	s12 =	sadd.s32 $0x1000, s10;
	s16 =	smov.u32 s10;
	p2 =	sgt.s32 s14, $0xC7  }
0x16: {  	s16 =	smov.u32 @p2 s12  }
0x17: {  	s14 =	simm.s32 @p2 $0x0;
	p2 =	sgt.s32 s16, $0xFFF  }
0x18: {  	s16 =	smov.u32 @p2 s2;
	p2 =	sne.s32 s11, s7  }
.Ltmp1:
0x19: {  	p1 =	slt.u32 s11, $0x2;
	(pc) =	sbr.rel @!p2 .LBB1_6-.Ltmp1, $4  }
0x1a: {  	s15 =	simm.s32 @!p1 $0x2  }
0x1b: {  	s13 =	smov.u32 s10;
	p0 =	por !p0, !p0;
	_ =	swait.ge @!p1 [sflag:s15], $0x2000  }
0x1c: {  	s12 =	smov.u32 s9;
	[sflag:s15] =	ssyncset.done @!p1 $0x0;
	s9 =	smov.u32 s14  }
0x1d: {  	s11 =	sadd.s32 $0x1, s11;
	[sflag:s15] =	ssyncadd.s32 @!p1 $0xFFFFE000;
	s10 =	smov.u32 s16  }
.LBB1_1:
0x1e: {  	p1 =	sge.u32 s11, s5  }
0x1f: {  	s14 =	sand.u32 @!p1 $0x1FFFFFF, s9  }
0x20: {  	s15 =	smulhi.u32 @!p1 $0x147AE15, s14;
	_ =	sdelay $0x1  }
0x21: {  	s15 =	smul.u32 @!p1 $0xC8, s15  }
0x22: {  	s16 =	sxor.u32 @!p1 $0xFFFFFFFF, s11;
	s17 =	smul.u32 @!p1 $0xC80, s10  }
0x23: {  	s31 =	sadd.s32 $0xFFFFFFFF, s11;
	s16 =	sshll.u32 @!p1 s16, $0xD;
	s14 =	ssub.s32 @!p1 s14, s15  }
0x24: {  	s15 =	sand.u32 @!p1 $0x2000, s16;
	s16 =	sadd.s32 @!p1 s6, s17;
	s14 =	sshll.u32 @!p1 s14, $0x4  }
0x25: {  	s17 =	simm.s32 @!p1 $0x6400;
	s14 =	sadd.s32 @!p1 s14, s16;
	s16 =	simm.s32 @!p1 $0x40  }
0x26: {  	[tilespmem:s15], [sflag:$0x1] =	stream.strided.gather @!p1 [hbm4b:s14+s16], $0x2000, s17, s16, $0x38;
	[tilespmem:$0x8080] =	vst v63  }
0x27: {  	p1 =	sge.u32 s31, s5  }
.Ltmp2:
0x28: {  	_ = 	snop;
	(pc) =	sbr.rel @p1 .LBB1_5-.Ltmp2, $1  }
0x29: {  	_ =	sdelay $0x3  }
0x2a: {  	s14 =	simm.s32 $0x1  }
0x2b: {  	_ =	swait.ge [sflag:s4], $0x2000;
	s14 =	simm.s32 @!p0 $0x0  }
0x2c: {  	[sflag:s4] =	ssyncset.done $0x0;
	s15 =	sshll.u32 s14, $0xD  }
0x2d: {  	[sflag:s4] =	ssyncadd.s32 $0xFFFFE000;
	s18 =	sor.u32 $0x20, s15  }
0x2e: {  	s14 =	smul.u32 $0x8100, s14;
	v3 =	vld [tilespmem:s18+$0x10]  }
0x2f: {  	s30 =	sand.u32 $0x1, s11;
	v2 =	vld [tilespmem:s18+$0xFFFFFFF0]  }
0x30: {  	s15 =	smul.u32 $0x8100, s30;
	s14 =	sshrl.u32 s14, $0x2;
	v0 =	vld [tilespmem:s18+$0x0]  }
0x31: {  	v1 =	vld [tilespmem:s18+$0xFFFFFFE0];
	s16 =	sor.u32 $0x4000, s14  }
0x32: {  	s31 =	sshrl.u32 s15, $0x2;
	s15 =	sadd.s32 $0x0, s16  }
0x33: {  	s17 =	simm.s32 $0x4;
	s18 =	sadd.s32 $0x40, s18;
	s14 =	sor.u32 $0x4000, s31;
	[tilespmem:s15+$0x1830 ss:$0x81] =	vst.msk $0xffff, v3  }
.LBB1_3:
0x34: {  	v3 =	vld [tilespmem:s18+$0x10];
	p1 =	sne.s32 s17, $0x1FC;
	[tilespmem:s15+$0x810 ss:$0x81] =	vst.msk $0xffff, v2;
	s19 =	smov.u32 s17;
	s17 =	sadd.s32 $0x4, s17  }
.Ltmp3:
0x35: {  	v2 =	vld [tilespmem:s18+$0xFFFFFFF0];
	[tilespmem:s15+$0x1020 ss:$0x81] =	vst.msk $0xffff, v0;
	(pc) =	sbr.rel @p1 .LBB1_3-.Ltmp3, $4  }
0x36: {  	v0 =	vld [tilespmem:s18+$0x0];
	[tilespmem:s15+$0x0 ss:$0x81] =	vst.msk $0xffff, v1  }
0x37: {  	s15 =	sshra.s32 s19, $0x2;
	v1 =	vld [tilespmem:s18+$0xFFFFFFE0]  }
0x38: {  	s15 =	sadd.s32 s15, s16  }
0x39: {  	s18 =	sadd.s32 $0x40, s18;
	[tilespmem:s15+$0x1830 ss:$0x81] =	vst.msk $0xffff, v3  }
.Ltmp4:
0x3a: {  	_ = 	snop;
	(pc) =	sbr.rel .LBB1_4-.Ltmp4, $1  }
0x3b: {  	_ =	sdelay $0x3  }
.LBB1_6:
0x3c: {  	_ =	sfence.sel $0x180000  }
0x3d: {  	s2 =	simm.s32 $0x1;
	[bflag:$0x0] =	sbarrier.arrive $0xFFFF  }
0x3e: {  	s31 =	simm.s32 $0x2;
	[sflag:s2] =	ssyncpa.u1 $0x1  }
0x3f: {  	[sflag:s31] =	ssyncpa.u1 $0x1  }
0x40: {  	p0 =	sne.s32 s0, $0x0;
	_ =	strace $0x9000004A  }
0x41: {  	s0 =	sadd.s32 @!p0 $0x100000, s1;
	[bflag:$0x2] =	sbarrier.arrive $0xFFFF  }
0x42: {  	[sflag:s0] =	ssyncadd.tile.s32 @!p0 $0x1;
	_ =	shalt  }
.Lfunc_end1:
_tile_overlayer_lowered:
.L_overlay_start_2:
0x43: {  	(tag) =	ssettag $0x2  }
0x44: {  	s0 =	rddreg [dreg:$0x0];
	s2 =	stileid.u32  }
0x45: {  	s1 =	rddreg [dreg:$0x1];
	p0 =	sne.s32 s2, $0x0  }
0x46: {  	s3 =	rddreg [dreg:$0x2];
	[bflag:$0x3] =	sbarrier.arrive $0xFFFF;
	s2 =	simm.s32 @!p0 $0x1C01  }
0x47: {  	[timem:s3], [sflag:s2] =	dma.local @!p0 [hbm:s0], s1  }
0x48: {  	s0 =	simm.s32 @!p0 $0x1  }
0x49: {  	_ =	swait.ge @!p0 [sflag:s0], s1  }
0x4a: {  	s1 =	ssub.s32 @!p0 $0x0, s1;
	[sflag:s0] =	ssyncset.done @!p0 $0x0  }
0x4b: {  	[sflag:s0] =	ssyncadd.s32 @!p0 s1  }
0x4c: {  	[bflag:$0x3] =	sbarrier.arrive $0xFFFF  }
0x4d: {  	_ =	shalt  }

</sc_bundles>
